<compile_context>
chip_gen: v7x
topology: tpu7x:2x2x1
jax: 0.10.2.dev20260603
libtpu: 0.0.44.dev20260713+nightly
codegen_flags: <defaults>
</compile_context>

<pallas_src>
import functools

import jax
import jax.numpy as jnp
from jax import lax
from jax.experimental import pallas as pl
from jax.experimental.pallas import tpu as pltpu
from jax.experimental.pallas import tpu_sc as plsc

_info = plsc.get_sparse_core_info()
_NC, _NS = _info.num_cores, _info.num_subcores
_NW = _NC * _NS
_L = _info.num_lanes

_BB = 128
_NSLOT = 5
_KG = 3


@functools.partial(jax.jit, static_argnames=("batch", "hist", "dim"))
def _sc_embed(idx_t, table, *, batch, hist, dim):
    bpw = batch // _NW
    blocks_per_l = bpw // _BB
    n_blocks = hist * blocks_per_l
    assert n_blocks % _NSLOT == 0
    mesh = plsc.VectorSubcoreMesh(core_axis_name="c", subcore_axis_name="s")

    @functools.partial(
        pl.kernel,
        mesh=mesh,
        out_type=jax.ShapeDtypeStruct((hist, batch, dim), jnp.float32),
        scratch_types=[
            pltpu.VMEM((hist, bpw), jnp.int32),
            pltpu.VMEM((_NSLOT, _BB, dim), jnp.float32),
            pltpu.SemaphoreType.DMA,
            pltpu.SemaphoreType.DMA((_NSLOT,)),
            pltpu.SemaphoreType.DMA((_NSLOT,)),
        ],
        compiler_params=pltpu.CompilerParams(use_tc_tiling_on_sc=False,
                                             needs_layout_passes=False),
    )
    def k(idx_hbm, tab_hbm, out_hbm, idx_v, rows_v, isem, gsem, wsem):
        wid = lax.axis_index("s") * _NC + lax.axis_index("c")
        b0 = wid * bpw

        pltpu.async_copy(idx_hbm.at[:, pl.ds(b0, bpw)], idx_v, isem).wait()

        iota = lax.iota(jnp.int32, _L)

        def fire_gather(l, j, s):
            pltpu.async_copy(
                tab_hbm.at[idx_v.at[l].at[pl.ds(j * _BB, _BB)]],
                rows_v.at[s], gsem.at[s])

        def wait_gather(l, j, s):
            pltpu.make_async_copy(
                tab_hbm.at[idx_v.at[l].at[pl.ds(j * _BB, _BB)]],
                rows_v.at[s], gsem.at[s]).wait()

        def fire_write(l, j, s):
            pltpu.async_copy(rows_v.at[s],
                             out_hbm.at[l].at[pl.ds(b0 + j * _BB, _BB)],
                             wsem.at[s])

        def wait_write(l, j, s):
            pltpu.make_async_copy(rows_v.at[s],
                                  out_hbm.at[l].at[pl.ds(b0 + j * _BB, _BB)],
                                  wsem.at[s]).wait()

        def lj(i):
            return i // blocks_per_l, i % blocks_per_l

        for i in range(_KG):
            fire_gather(*lj(i), i)

        def group(g, _):
            for t in range(_NSLOT):
                i = g * _NSLOT + t
                sx = (t + _KG) % _NSLOT

                @pl.when(jnp.logical_and(i + _KG < n_blocks,
                                         i + _KG - _NSLOT >= 0))
                def _():
                    p = i + _KG - _NSLOT
                    wait_write(p // blocks_per_l, p % blocks_per_l, sx)

                @pl.when(i + _KG < n_blocks)
                def _():
                    x = i + _KG
                    fire_gather(x // blocks_per_l, x % blocks_per_l, sx)

                wait_gather(i // blocks_per_l, i % blocks_per_l, t)

                fire_write(i // blocks_per_l, i % blocks_per_l, t)
            return 0

        lax.fori_loop(0, n_blocks // _NSLOT, group, 0)

        for t in range(_NSLOT):
            i = n_blocks - _NSLOT + t
            wait_write(i // blocks_per_l, i % blocks_per_l, t)

    return k(idx_t, table)


def kernel(input, weight):
    B, L = input.shape
    V, D = weight.shape
    assert B % (_NW * _BB) == 0
    idx_t = input.T
    out = _sc_embed(idx_t, weight, batch=B, hist=L, dim=D)
    return out.transpose(1, 0, 2)

# --- scband reference (transcript-rebuilt; emitter-appended) ---
"""Pipeline reference for scband-distributed-embedding-64647847739895 (READ-ONLY COPY).

The authoritative reference and input builder live on the scoring server;
editing this copy changes nothing except your own understanding.
"""

import jax, jax.numpy as jnp
import numpy as np

NUM_EMBEDDINGS = 1000000
EMBEDDING_DIM = 32
BATCH = 16384
HIST_LEN = 50


def setup_inputs(seed: int = 0) -> dict:
    key = jax.random.key(seed)
    k1, k2 = jax.random.split(key)
    # indices into the embedding table (int, in-range)
    input = jax.random.randint(k1, (BATCH, HIST_LEN), 0, NUM_EMBEDDINGS, dtype=jnp.int32)
    # embedding table, initialized like torch.nn.init.normal_(mean=0, std=1)
    weight = jax.random.normal(k2, (NUM_EMBEDDINGS, EMBEDDING_DIM), dtype=jnp.float32)
    return {"input": input, "weight": weight}


def reference(input, weight):
    # DistributedEmbedding.forward on a single device reduces to a plain
    # embedding lookup: broadcast(weight) is identity, then F.embedding.
    # padding_idx=None, max_norm=None, so no masking / renorm needed.
    out = jnp.take(weight, input, axis=0)  # [B, L, D]
    return out

if __name__ == "__main__":
    import jax
    _d = setup_inputs()
    print(jax.jit(kernel)(*tuple(_d.values())))

</pallas_src>

<mosaic_0001>
#map = affine_map<(d0, d1) -> (0, 0)>
#map1 = affine_map<(d0, d1) -> (0, 0, 0)>
module attributes {stable_mosaic.version = 14 : i64} {
  func.func @k(%arg0: i32, %arg1: i32, %arg2: memref<50x16384xi32, #tpu.memory_space<hbm>>, %arg3: memref<1000000x32xf32, #tpu.memory_space<hbm>>, %arg4: memref<50x16384x32xf32, #tpu.memory_space<hbm>>, %arg5: memref<50x512xi32, #tpu.memory_space<vmem>>, %arg6: memref<5x128x32xf32, #tpu.memory_space<vmem>>, %arg7: memref<!tpu.dma_semaphore, #tpu.memory_space<semaphore_mem>>, %arg8: memref<5x!tpu.dma_semaphore, #tpu.memory_space<semaphore_mem>>, %arg9: memref<5x!tpu.dma_semaphore, #tpu.memory_space<semaphore_mem>>) attributes {dimension_semantics = [#tpu.dimension_semantics<core_parallel>, #tpu.dimension_semantics<subcore_parallel>], iteration_bounds = array<i64: 2, 16>, scalar_prefetch = 0 : i64, scratch_operands = 5 : i64, tpu.core_type = #tpu.core_type<sc_vector_subcore>, window_params = [{transform_indices = #map}, {transform_indices = #map}, {transform_indices = #map1}]} {
    %mul3A = arith.constant 2 : i32
    %mul3A_0 = arith.muli %arg1, %mul3A : i32
    %add3A = arith.addi %mul3A_0, %arg0 : i32
    %mul3A_1 = arith.constant 512 : i32
    %mul3A_2 = arith.muli %add3A, %mul3A_1 : i32
    %dma_start3A = arith.constant 0 : i32
    %dma_start3A_3 = tpu.memref_slice %arg2[%dma_start3A, %mul3A_2] : memref<50x16384xi32, #tpu.memory_space<hbm>> -> memref<50x512xi32, #tpu.memory_space<hbm>>
    %dma_start3A_4 = arith.constant 0 : i32
    %dma_start3A_5 = tpu.memref_slice %arg2[%dma_start3A_4, %mul3A_2] : memref<50x16384xi32, #tpu.memory_space<hbm>> -> memref<50x512xi32, #tpu.memory_space<hbm>>
    tpu.enqueue_dma source(%dma_start3A_5 : memref<50x512xi32, #tpu.memory_space<hbm>>) target(%arg5 : memref<50x512xi32, #tpu.memory_space<vmem>>) target_semaphore(%arg7 : memref<!tpu.dma_semaphore, #tpu.memory_space<semaphore_mem>>)
    %dma_wait3A = arith.constant 0 : i32
    %dma_wait3A_6 = tpu.memref_slice %arg2[%dma_wait3A, %mul3A_2] : memref<50x16384xi32, #tpu.memory_space<hbm>> -> memref<50x512xi32, #tpu.memory_space<hbm>>
    %dma_wait3A_7 = arith.constant 0 : i32
    %dma_wait3A_8 = tpu.memref_slice %arg2[%dma_wait3A_7, %mul3A_2] : memref<50x16384xi32, #tpu.memory_space<hbm>> -> memref<50x512xi32, #tpu.memory_space<hbm>>
    tpu.wait_dma2 semaphore(%arg7 : memref<!tpu.dma_semaphore, #tpu.memory_space<semaphore_mem>>) src(%dma_wait3A_8 : memref<50x512xi32, #tpu.memory_space<hbm>>) dst(%arg5 : memref<50x512xi32, #tpu.memory_space<vmem>>)
    %iota3A = tpu.iota {dimensions = array<i32: 0>} : vector<16xi32>
    %dma_start3A_9 = arith.constant 0 : i32
    %dma_start3A_10 = arith.constant 0 : i32
    %dma_start3A_11 = arith.constant 0 : i32
    %dma_start3A_12 = arith.constant 0 : i32
    %dma_start3A_13 = arith.constant 0 : i32
    %dma_start3A_14 = tpu.memref_slice %arg6[%dma_start3A_10, %dma_start3A_12, %dma_start3A_13] : memref<5x128x32xf32, #tpu.memory_space<vmem>> -> memref<1x128x32xf32, #tpu.memory_space<vmem>>
    %dma_start3A_15 = tpu.memref_squeeze %dma_start3A_14 : memref<1x128x32xf32, #tpu.memory_space<vmem>> -> memref<128x32xf32, #tpu.memory_space<vmem>>
    %dma_start3A_16 = arith.constant 0 : i32
    %dma_start3A_17 = tpu.memref_slice %arg5[%dma_start3A_9, %dma_start3A_16] : memref<50x512xi32, #tpu.memory_space<vmem>> -> memref<1x512xi32, #tpu.memory_space<vmem>>
    %dma_start3A_18 = tpu.memref_squeeze %dma_start3A_17 : memref<1x512xi32, #tpu.memory_space<vmem>> -> memref<512xi32, #tpu.memory_space<vmem>>
    %dma_start3A_19 = arith.constant 0 : i32
    %dma_start3A_20 = tpu.memref_slice %dma_start3A_18[%dma_start3A_19] : memref<512xi32, #tpu.memory_space<vmem>> -> memref<128xi32, #tpu.memory_space<vmem>>
    %dma_start3A_21 = arith.constant 0 : i32
    %dma_start3A_22 = arith.constant 0 : i32
    %dma_start3A_23 = tpu.memref_slice %arg3[%dma_start3A_21, %dma_start3A_22] : memref<1000000x32xf32, #tpu.memory_space<hbm>> -> memref<1000000x32xf32, #tpu.memory_space<hbm>>
    %dma_start3A_24 = tpu.memref_slice %arg8[%dma_start3A_11] : memref<5x!tpu.dma_semaphore, #tpu.memory_space<semaphore_mem>> -> memref<1x!tpu.dma_semaphore, #tpu.memory_space<semaphore_mem>>
    %dma_start3A_25 = tpu.memref_squeeze %dma_start3A_24 : memref<1x!tpu.dma_semaphore, #tpu.memory_space<semaphore_mem>> -> memref<!tpu.dma_semaphore, #tpu.memory_space<semaphore_mem>>
    tpu.enqueue_indirect_dma source(%dma_start3A_23 : memref<1000000x32xf32, #tpu.memory_space<hbm>>) target(%dma_start3A_15 : memref<128x32xf32, #tpu.memory_space<vmem>>) offsets(%dma_start3A_20 : memref<128xi32, #tpu.memory_space<vmem>>) semaphore(%dma_start3A_25 : memref<!tpu.dma_semaphore, #tpu.memory_space<semaphore_mem>>)
    %dma_start3A_26 = arith.constant 0 : i32
    %dma_start3A_27 = arith.constant 1 : i32
    %dma_start3A_28 = arith.constant 1 : i32
    %dma_start3A_29 = arith.constant 0 : i32
    %dma_start3A_30 = arith.constant 0 : i32
    %dma_start3A_31 = tpu.memref_slice %arg6[%dma_start3A_27, %dma_start3A_29, %dma_start3A_30] : memref<5x128x32xf32, #tpu.memory_space<vmem>> -> memref<1x128x32xf32, #tpu.memory_space<vmem>>
    %dma_start3A_32 = tpu.memref_squeeze %dma_start3A_31 : memref<1x128x32xf32, #tpu.memory_space<vmem>> -> memref<128x32xf32, #tpu.memory_space<vmem>>
    %dma_start3A_33 = arith.constant 0 : i32
    %dma_start3A_34 = tpu.memref_slice %arg5[%dma_start3A_26, %dma_start3A_33] : memref<50x512xi32, #tpu.memory_space<vmem>> -> memref<1x512xi32, #tpu.memory_space<vmem>>
    %dma_start3A_35 = tpu.memref_squeeze %dma_start3A_34 : memref<1x512xi32, #tpu.memory_space<vmem>> -> memref<512xi32, #tpu.memory_space<vmem>>
    %dma_start3A_36 = arith.constant 128 : i32
    %dma_start3A_37 = tpu.memref_slice %dma_start3A_35[%dma_start3A_36] : memref<512xi32, #tpu.memory_space<vmem>> -> memref<128xi32, #tpu.memory_space<vmem>>
    %dma_start3A_38 = arith.constant 0 : i32
    %dma_start3A_39 = arith.constant 0 : i32
    %dma_start3A_40 = tpu.memref_slice %arg3[%dma_start3A_38, %dma_start3A_39] : memref<1000000x32xf32, #tpu.memory_space<hbm>> -> memref<1000000x32xf32, #tpu.memory_space<hbm>>
    %dma_start3A_41 = tpu.memref_slice %arg8[%dma_start3A_28] : memref<5x!tpu.dma_semaphore, #tpu.memory_space<semaphore_mem>> -> memref<1x!tpu.dma_semaphore, #tpu.memory_space<semaphore_mem>>
    %dma_start3A_42 = tpu.memref_squeeze %dma_start3A_41 : memref<1x!tpu.dma_semaphore, #tpu.memory_space<semaphore_mem>> -> memref<!tpu.dma_semaphore, #tpu.memory_space<semaphore_mem>>
    tpu.enqueue_indirect_dma source(%dma_start3A_40 : memref<1000000x32xf32, #tpu.memory_space<hbm>>) target(%dma_start3A_32 : memref<128x32xf32, #tpu.memory_space<vmem>>) offsets(%dma_start3A_37 : memref<128xi32, #tpu.memory_space<vmem>>) semaphore(%dma_start3A_42 : memref<!tpu.dma_semaphore, #tpu.memory_space<semaphore_mem>>)
    %dma_start3A_43 = arith.constant 0 : i32
    %dma_start3A_44 = arith.constant 2 : i32
    %dma_start3A_45 = arith.constant 2 : i32
    %dma_start3A_46 = arith.constant 0 : i32
    %dma_start3A_47 = arith.constant 0 : i32
    %dma_start3A_48 = tpu.memref_slice %arg6[%dma_start3A_44, %dma_start3A_46, %dma_start3A_47] : memref<5x128x32xf32, #tpu.memory_space<vmem>> -> memref<1x128x32xf32, #tpu.memory_space<vmem>>
    %dma_start3A_49 = tpu.memref_squeeze %dma_start3A_48 : memref<1x128x32xf32, #tpu.memory_space<vmem>> -> memref<128x32xf32, #tpu.memory_space<vmem>>
    %dma_start3A_50 = arith.constant 0 : i32
    %dma_start3A_51 = tpu.memref_slice %arg5[%dma_start3A_43, %dma_start3A_50] : memref<50x512xi32, #tpu.memory_space<vmem>> -> memref<1x512xi32, #tpu.memory_space<vmem>>
    %dma_start3A_52 = tpu.memref_squeeze %dma_start3A_51 : memref<1x512xi32, #tpu.memory_space<vmem>> -> memref<512xi32, #tpu.memory_space<vmem>>
    %dma_start3A_53 = arith.constant 256 : i32
    %dma_start3A_54 = tpu.memref_slice %dma_start3A_52[%dma_start3A_53] : memref<512xi32, #tpu.memory_space<vmem>> -> memref<128xi32, #tpu.memory_space<vmem>>
    %dma_start3A_55 = arith.constant 0 : i32
    %dma_start3A_56 = arith.constant 0 : i32
    %dma_start3A_57 = tpu.memref_slice %arg3[%dma_start3A_55, %dma_start3A_56] : memref<1000000x32xf32, #tpu.memory_space<hbm>> -> memref<1000000x32xf32, #tpu.memory_space<hbm>>
    %dma_start3A_58 = tpu.memref_slice %arg8[%dma_start3A_45] : memref<5x!tpu.dma_semaphore, #tpu.memory_space<semaphore_mem>> -> memref<1x!tpu.dma_semaphore, #tpu.memory_space<semaphore_mem>>
    %dma_start3A_59 = tpu.memref_squeeze %dma_start3A_58 : memref<1x!tpu.dma_semaphore, #tpu.memory_space<semaphore_mem>> -> memref<!tpu.dma_semaphore, #tpu.memory_space<semaphore_mem>>
    tpu.enqueue_indirect_dma source(%dma_start3A_57 : memref<1000000x32xf32, #tpu.memory_space<hbm>>) target(%dma_start3A_49 : memref<128x32xf32, #tpu.memory_space<vmem>>) offsets(%dma_start3A_54 : memref<128xi32, #tpu.memory_space<vmem>>) semaphore(%dma_start3A_59 : memref<!tpu.dma_semaphore, #tpu.memory_space<semaphore_mem>>)
    %scan3A = arith.constant 0 : i32
    %scan3A_60 = arith.constant 0 : i32
    %scan3A_61 = arith.constant 40 : i32
    %scan3A_62 = arith.addi %scan3A_60, %scan3A_61 : i32
    %scan3A_63 = arith.constant 1 : i32
    %scan3A_64 = scf.for %scan3A_201 = %scan3A_60 to %scan3A_62 step %scan3A_63 iter_args(%scan3A_202 = %scan3A) -> (i32)  : i32 {
      %mul3A_203 = arith.constant 5 : i32
      %mul3A_204 = arith.muli %scan3A_201, %mul3A_203 : i32
      %add3A_205 = arith.constant 0 : i32
      %add3A_206 = arith.addi %mul3A_204, %add3A_205 : i32
      %add3A_207 = arith.constant 3 : i32
      %add3A_208 = arith.addi %add3A_206, %add3A_207 : i32
      %lt3A = arith.constant 200 : i32
      %lt3A_209 = arith.cmpi slt, %add3A_208, %lt3A : i32
      %add3A_210 = arith.constant 3 : i32
      %add3A_211 = arith.addi %add3A_206, %add3A_210 : i32
      %sub3A = arith.constant 5 : i32
      %sub3A_212 = arith.subi %add3A_211, %sub3A : i32
      %ge3A = arith.constant 0 : i32
      %ge3A_213 = arith.cmpi sge, %sub3A_212, %ge3A : i32
      %and3A = arith.andi %lt3A_209, %ge3A_213 : i1
      %convert_element_type3A = arith.extui %and3A : i1 to i32
      %cond3A = arith.constant 0 : i32
      %cond3A_214 = arith.cmpi ne, %convert_element_type3A, %cond3A : i32
      scf.if %cond3A_214 {
        %add3A_936 = arith.constant 3 : i32
        %add3A_937 = arith.addi %add3A_206, %add3A_936 : i32
        %sub3A_938 = arith.constant 5 : i32
        %sub3A_939 = arith.subi %add3A_937, %sub3A_938 : i32
        %jit3A_940 = arith.constant 4 : i32
        %div3A_941 = arith.divsi %sub3A_939, %jit3A_940 : i32
        %sign3A_942 = arith.constant 0 : i32
        %sign3A_943 = arith.cmpi sgt, %sub3A_939, %sign3A_942 : i32
        %sign3A_944 = arith.extui %sign3A_943 : i1 to i32
        %sign3A_945 = arith.constant 0 : i32
        %sign3A_946 = arith.cmpi slt, %sub3A_939, %sign3A_945 : i32
        %sign3A_947 = arith.extui %sign3A_946 : i1 to i32
        %sign3A_948 = arith.subi %sign3A_944, %sign3A_947 : i32
        %sign3A_949 = arith.constant 0 : i32
        %sign3A_950 = arith.cmpi sgt, %jit3A_940, %sign3A_949 : i32
        %sign3A_951 = arith.extui %sign3A_950 : i1 to i32
        %sign3A_952 = arith.constant 0 : i32
        %sign3A_953 = arith.cmpi slt, %jit3A_940, %sign3A_952 : i32
        %sign3A_954 = arith.extui %sign3A_953 : i1 to i32
        %sign3A_955 = arith.subi %sign3A_951, %sign3A_954 : i32
        %ne3A_956 = arith.cmpi ne, %sign3A_948, %sign3A_955 : i32
        %rem3A_957 = arith.remsi %sub3A_939, %jit3A_940 : i32
        %ne3A_958 = arith.constant 0 : i32
        %ne3A_959 = arith.cmpi ne, %rem3A_957, %ne3A_958 : i32
        %and3A_960 = arith.andi %ne3A_956, %ne3A_959 : i1
        %sub3A_961 = arith.constant 1 : i32
        %sub3A_962 = arith.subi %div3A_941, %sub3A_961 : i32
        %select_n3A_963 = arith.select %and3A_960, %sub3A_962, %div3A_941 : i32
        %jit3A_964 = arith.constant 4 : i32
        %eq3A_965 = arith.constant 0 : i32
        %eq3A_966 = arith.cmpi eq, %jit3A_964, %eq3A_965 : i32
        %jit3A_967 = arith.constant 1 : i32
        %select_n3A_968 = arith.select %eq3A_966, %jit3A_967, %jit3A_964 : i32
        %rem3A_969 = arith.remsi %sub3A_939, %select_n3A_968 : i32
        %ne3A_970 = arith.constant 0 : i32
        %ne3A_971 = arith.cmpi ne, %rem3A_969, %ne3A_970 : i32
        %lt3A_972 = arith.constant 0 : i32
        %lt3A_973 = arith.cmpi slt, %rem3A_969, %lt3A_972 : i32
        %lt3A_974 = arith.constant 0 : i32
        %lt3A_975 = arith.cmpi slt, %select_n3A_968, %lt3A_974 : i32
        %ne3A_976 = arith.xori %lt3A_973, %lt3A_975 : i1
        %and3A_977 = arith.andi %ne3A_976, %ne3A_971 : i1
        %add3A_978 = arith.addi %rem3A_969, %select_n3A_968 : i32
        %select_n3A_979 = arith.select %and3A_977, %add3A_978, %rem3A_969 : i32
        %mul3A_980 = arith.constant 128 : i32
        %mul3A_981 = arith.muli %select_n3A_979, %mul3A_980 : i32
        %add3A_982 = arith.addi %mul3A_2, %mul3A_981 : i32
        %dma_wait3A_983 = arith.constant 3 : i32
        %dma_wait3A_984 = arith.constant 3 : i32
        %dma_wait3A_985 = arith.constant 0 : i32
        %dma_wait3A_986 = arith.constant 0 : i32
        %dma_wait3A_987 = tpu.memref_slice %arg6[%dma_wait3A_983, %dma_wait3A_985, %dma_wait3A_986] : memref<5x128x32xf32, #tpu.memory_space<vmem>> -> memref<1x128x32xf32, #tpu.memory_space<vmem>>
        %dma_wait3A_988 = tpu.memref_squeeze %dma_wait3A_987 : memref<1x128x32xf32, #tpu.memory_space<vmem>> -> memref<128x32xf32, #tpu.memory_space<vmem>>
        %dma_wait3A_989 = arith.constant 0 : i32
        %dma_wait3A_990 = arith.constant 0 : i32
        %dma_wait3A_991 = tpu.memref_slice %arg4[%select_n3A_963, %dma_wait3A_989, %dma_wait3A_990] : memref<50x16384x32xf32, #tpu.memory_space<hbm>> -> memref<1x16384x32xf32, #tpu.memory_space<hbm>>
        %dma_wait3A_992 = tpu.memref_squeeze %dma_wait3A_991 : memref<1x16384x32xf32, #tpu.memory_space<hbm>> -> memref<16384x32xf32, #tpu.memory_space<hbm>>
        %dma_wait3A_993 = arith.constant 0 : i32
        %dma_wait3A_994 = tpu.memref_slice %dma_wait3A_992[%add3A_982, %dma_wait3A_993] : memref<16384x32xf32, #tpu.memory_space<hbm>> -> memref<128x32xf32, #tpu.memory_space<hbm>>
        %dma_wait3A_995 = tpu.memref_slice %arg9[%dma_wait3A_984] : memref<5x!tpu.dma_semaphore, #tpu.memory_space<semaphore_mem>> -> memref<1x!tpu.dma_semaphore, #tpu.memory_space<semaphore_mem>>
        %dma_wait3A_996 = tpu.memref_squeeze %dma_wait3A_995 : memref<1x!tpu.dma_semaphore, #tpu.memory_space<semaphore_mem>> -> memref<!tpu.dma_semaphore, #tpu.memory_space<semaphore_mem>>
        %dma_wait3A_997 = arith.constant 0 : i32
        %dma_wait3A_998 = arith.constant 0 : i32
        %dma_wait3A_999 = tpu.memref_slice %arg4[%select_n3A_963, %dma_wait3A_997, %dma_wait3A_998] : memref<50x16384x32xf32, #tpu.memory_space<hbm>> -> memref<1x16384x32xf32, #tpu.memory_space<hbm>>
        %dma_wait3A_1000 = tpu.memref_squeeze %dma_wait3A_999 : memref<1x16384x32xf32, #tpu.memory_space<hbm>> -> memref<16384x32xf32, #tpu.memory_space<hbm>>
        %dma_wait3A_1001 = arith.constant 0 : i32
        %dma_wait3A_1002 = tpu.memref_slice %dma_wait3A_1000[%add3A_982, %dma_wait3A_1001] : memref<16384x32xf32, #tpu.memory_space<hbm>> -> memref<128x32xf32, #tpu.memory_space<hbm>>
        %dma_wait3A_1003 = arith.constant 0 : i32
        %dma_wait3A_1004 = arith.constant 0 : i32
        %dma_wait3A_1005 = tpu.memref_slice %arg6[%dma_wait3A_983, %dma_wait3A_1003, %dma_wait3A_1004] : memref<5x128x32xf32, #tpu.memory_space<vmem>> -> memref<1x128x32xf32, #tpu.memory_space<vmem>>
        %dma_wait3A_1006 = tpu.memref_squeeze %dma_wait3A_1005 : memref<1x128x32xf32, #tpu.memory_space<vmem>> -> memref<128x32xf32, #tpu.memory_space<vmem>>
        tpu.wait_dma2 semaphore(%dma_wait3A_996 : memref<!tpu.dma_semaphore, #tpu.memory_space<semaphore_mem>>) src(%dma_wait3A_1006 : memref<128x32xf32, #tpu.memory_space<vmem>>) dst(%dma_wait3A_1002 : memref<128x32xf32, #tpu.memory_space<hbm>>)
      } else {
      }
      %add3A_215 = arith.constant 3 : i32
      %add3A_216 = arith.addi %add3A_206, %add3A_215 : i32
      %lt3A_217 = arith.constant 200 : i32
      %lt3A_218 = arith.cmpi slt, %add3A_216, %lt3A_217 : i32
      %convert_element_type3A_219 = arith.extui %lt3A_218 : i1 to i32
      %cond3A_220 = arith.constant 0 : i32
      %cond3A_221 = arith.cmpi ne, %convert_element_type3A_219, %cond3A_220 : i32
      scf.if %cond3A_221 {
        %add3A_936 = arith.constant 3 : i32
        %add3A_937 = arith.addi %add3A_206, %add3A_936 : i32
        %jit3A_938 = arith.constant 4 : i32
        %div3A_939 = arith.divsi %add3A_937, %jit3A_938 : i32
        %sign3A_940 = arith.constant 0 : i32
        %sign3A_941 = arith.cmpi sgt, %add3A_937, %sign3A_940 : i32
        %sign3A_942 = arith.extui %sign3A_941 : i1 to i32
        %sign3A_943 = arith.constant 0 : i32
        %sign3A_944 = arith.cmpi slt, %add3A_937, %sign3A_943 : i32
        %sign3A_945 = arith.extui %sign3A_944 : i1 to i32
        %sign3A_946 = arith.subi %sign3A_942, %sign3A_945 : i32
        %sign3A_947 = arith.constant 0 : i32
        %sign3A_948 = arith.cmpi sgt, %jit3A_938, %sign3A_947 : i32
        %sign3A_949 = arith.extui %sign3A_948 : i1 to i32
        %sign3A_950 = arith.constant 0 : i32
        %sign3A_951 = arith.cmpi slt, %jit3A_938, %sign3A_950 : i32
        %sign3A_952 = arith.extui %sign3A_951 : i1 to i32
        %sign3A_953 = arith.subi %sign3A_949, %sign3A_952 : i32
        %ne3A_954 = arith.cmpi ne, %sign3A_946, %sign3A_953 : i32
        %rem3A_955 = arith.remsi %add3A_937, %jit3A_938 : i32
        %ne3A_956 = arith.constant 0 : i32
        %ne3A_957 = arith.cmpi ne, %rem3A_955, %ne3A_956 : i32
        %and3A_958 = arith.andi %ne3A_954, %ne3A_957 : i1
        %sub3A_959 = arith.constant 1 : i32
        %sub3A_960 = arith.subi %div3A_939, %sub3A_959 : i32
        %select_n3A_961 = arith.select %and3A_958, %sub3A_960, %div3A_939 : i32
        %jit3A_962 = arith.constant 4 : i32
        %eq3A_963 = arith.constant 0 : i32
        %eq3A_964 = arith.cmpi eq, %jit3A_962, %eq3A_963 : i32
        %jit3A_965 = arith.constant 1 : i32
        %select_n3A_966 = arith.select %eq3A_964, %jit3A_965, %jit3A_962 : i32
        %rem3A_967 = arith.remsi %add3A_937, %select_n3A_966 : i32
        %ne3A_968 = arith.constant 0 : i32
        %ne3A_969 = arith.cmpi ne, %rem3A_967, %ne3A_968 : i32
        %lt3A_970 = arith.constant 0 : i32
        %lt3A_971 = arith.cmpi slt, %rem3A_967, %lt3A_970 : i32
        %lt3A_972 = arith.constant 0 : i32
        %lt3A_973 = arith.cmpi slt, %select_n3A_966, %lt3A_972 : i32
        %ne3A_974 = arith.xori %lt3A_971, %lt3A_973 : i1
        %and3A_975 = arith.andi %ne3A_974, %ne3A_969 : i1
        %add3A_976 = arith.addi %rem3A_967, %select_n3A_966 : i32
        %select_n3A_977 = arith.select %and3A_975, %add3A_976, %rem3A_967 : i32
        %mul3A_978 = arith.constant 128 : i32
        %mul3A_979 = arith.muli %select_n3A_977, %mul3A_978 : i32
        %dma_start3A_980 = arith.constant 3 : i32
        %dma_start3A_981 = arith.constant 3 : i32
        %dma_start3A_982 = arith.constant 0 : i32
        %dma_start3A_983 = arith.constant 0 : i32
        %dma_start3A_984 = tpu.memref_slice %arg6[%dma_start3A_980, %dma_start3A_982, %dma_start3A_983] : memref<5x128x32xf32, #tpu.memory_space<vmem>> -> memref<1x128x32xf32, #tpu.memory_space<vmem>>
        %dma_start3A_985 = tpu.memref_squeeze %dma_start3A_984 : memref<1x128x32xf32, #tpu.memory_space<vmem>> -> memref<128x32xf32, #tpu.memory_space<vmem>>
        %dma_start3A_986 = arith.constant 0 : i32
        %dma_start3A_987 = tpu.memref_slice %arg5[%select_n3A_961, %dma_start3A_986] : memref<50x512xi32, #tpu.memory_space<vmem>> -> memref<1x512xi32, #tpu.memory_space<vmem>>
        %dma_start3A_988 = tpu.memref_squeeze %dma_start3A_987 : memref<1x512xi32, #tpu.memory_space<vmem>> -> memref<512xi32, #tpu.memory_space<vmem>>
        %dma_start3A_989 = tpu.memref_slice %dma_start3A_988[%mul3A_979] : memref<512xi32, #tpu.memory_space<vmem>> -> memref<128xi32, #tpu.memory_space<vmem>>
        %dma_start3A_990 = arith.constant 0 : i32
        %dma_start3A_991 = arith.constant 0 : i32
        %dma_start3A_992 = tpu.memref_slice %arg3[%dma_start3A_990, %dma_start3A_991] : memref<1000000x32xf32, #tpu.memory_space<hbm>> -> memref<1000000x32xf32, #tpu.memory_space<hbm>>
        %dma_start3A_993 = tpu.memref_slice %arg8[%dma_start3A_981] : memref<5x!tpu.dma_semaphore, #tpu.memory_space<semaphore_mem>> -> memref<1x!tpu.dma_semaphore, #tpu.memory_space<semaphore_mem>>
        %dma_start3A_994 = tpu.memref_squeeze %dma_start3A_993 : memref<1x!tpu.dma_semaphore, #tpu.memory_space<semaphore_mem>> -> memref<!tpu.dma_semaphore, #tpu.memory_space<semaphore_mem>>
        tpu.enqueue_indirect_dma source(%dma_start3A_992 : memref<1000000x32xf32, #tpu.memory_space<hbm>>) target(%dma_start3A_985 : memref<128x32xf32, #tpu.memory_space<vmem>>) offsets(%dma_start3A_989 : memref<128xi32, #tpu.memory_space<vmem>>) semaphore(%dma_start3A_994 : memref<!tpu.dma_semaphore, #tpu.memory_space<semaphore_mem>>)
      } else {
      }
      %jit3A = arith.constant 4 : i32
      %div3A = arith.divsi %add3A_206, %jit3A : i32
      %sign3A = arith.constant 0 : i32
      %sign3A_222 = arith.cmpi sgt, %add3A_206, %sign3A : i32
      %sign3A_223 = arith.extui %sign3A_222 : i1 to i32
      %sign3A_224 = arith.constant 0 : i32
      %sign3A_225 = arith.cmpi slt, %add3A_206, %sign3A_224 : i32
      %sign3A_226 = arith.extui %sign3A_225 : i1 to i32
      %sign3A_227 = arith.subi %sign3A_223, %sign3A_226 : i32
      %sign3A_228 = arith.constant 0 : i32
      %sign3A_229 = arith.cmpi sgt, %jit3A, %sign3A_228 : i32
      %sign3A_230 = arith.extui %sign3A_229 : i1 to i32
      %sign3A_231 = arith.constant 0 : i32
      %sign3A_232 = arith.cmpi slt, %jit3A, %sign3A_231 : i32
      %sign3A_233 = arith.extui %sign3A_232 : i1 to i32
      %sign3A_234 = arith.subi %sign3A_230, %sign3A_233 : i32
      %ne3A = arith.cmpi ne, %sign3A_227, %sign3A_234 : i32
      %rem3A = arith.remsi %add3A_206, %jit3A : i32
      %ne3A_235 = arith.constant 0 : i32
      %ne3A_236 = arith.cmpi ne, %rem3A, %ne3A_235 : i32
      %and3A_237 = arith.andi %ne3A, %ne3A_236 : i1
      %sub3A_238 = arith.constant 1 : i32
      %sub3A_239 = arith.subi %div3A, %sub3A_238 : i32
      %select_n3A = arith.select %and3A_237, %sub3A_239, %div3A : i32
      %jit3A_240 = arith.constant 4 : i32
      %eq3A = arith.constant 0 : i32
      %eq3A_241 = arith.cmpi eq, %jit3A_240, %eq3A : i32
      %jit3A_242 = arith.constant 1 : i32
      %select_n3A_243 = arith.select %eq3A_241, %jit3A_242, %jit3A_240 : i32
      %rem3A_244 = arith.remsi %add3A_206, %select_n3A_243 : i32
      %ne3A_245 = arith.constant 0 : i32
      %ne3A_246 = arith.cmpi ne, %rem3A_244, %ne3A_245 : i32
      %lt3A_247 = arith.constant 0 : i32
      %lt3A_248 = arith.cmpi slt, %rem3A_244, %lt3A_247 : i32
      %lt3A_249 = arith.constant 0 : i32
      %lt3A_250 = arith.cmpi slt, %select_n3A_243, %lt3A_249 : i32
      %ne3A_251 = arith.xori %lt3A_248, %lt3A_250 : i1
      %and3A_252 = arith.andi %ne3A_251, %ne3A_246 : i1
      %add3A_253 = arith.addi %rem3A_244, %select_n3A_243 : i32
      %select_n3A_254 = arith.select %and3A_252, %add3A_253, %rem3A_244 : i32
      %mul3A_255 = arith.constant 128 : i32
      %mul3A_256 = arith.muli %select_n3A_254, %mul3A_255 : i32
      %dma_wait3A_257 = arith.constant 0 : i32
      %dma_wait3A_258 = arith.constant 0 : i32
      %dma_wait3A_259 = arith.constant 0 : i32
      %dma_wait3A_260 = arith.constant 0 : i32
      %dma_wait3A_261 = tpu.memref_slice %arg6[%dma_wait3A_257, %dma_wait3A_259, %dma_wait3A_260] : memref<5x128x32xf32, #tpu.memory_space<vmem>> -> memref<1x128x32xf32, #tpu.memory_space<vmem>>
      %dma_wait3A_262 = tpu.memref_squeeze %dma_wait3A_261 : memref<1x128x32xf32, #tpu.memory_space<vmem>> -> memref<128x32xf32, #tpu.memory_space<vmem>>
      %dma_wait3A_263 = arith.constant 0 : i32
      %dma_wait3A_264 = tpu.memref_slice %arg5[%select_n3A, %dma_wait3A_263] : memref<50x512xi32, #tpu.memory_space<vmem>> -> memref<1x512xi32, #tpu.memory_space<vmem>>
      %dma_wait3A_265 = tpu.memref_squeeze %dma_wait3A_264 : memref<1x512xi32, #tpu.memory_space<vmem>> -> memref<512xi32, #tpu.memory_space<vmem>>
      %dma_wait3A_266 = tpu.memref_slice %dma_wait3A_265[%mul3A_256] : memref<512xi32, #tpu.memory_space<vmem>> -> memref<128xi32, #tpu.memory_space<vmem>>
      %dma_wait3A_267 = arith.constant 0 : i32
      %dma_wait3A_268 = arith.constant 0 : i32
      %dma_wait3A_269 = tpu.memref_slice %arg3[%dma_wait3A_267, %dma_wait3A_268] : memref<1000000x32xf32, #tpu.memory_space<hbm>> -> memref<1000000x32xf32, #tpu.memory_space<hbm>>
      %dma_wait3A_270 = tpu.memref_slice %arg8[%dma_wait3A_258] : memref<5x!tpu.dma_semaphore, #tpu.memory_space<semaphore_mem>> -> memref<1x!tpu.dma_semaphore, #tpu.memory_space<semaphore_mem>>
      %dma_wait3A_271 = tpu.memref_squeeze %dma_wait3A_270 : memref<1x!tpu.dma_semaphore, #tpu.memory_space<semaphore_mem>> -> memref<!tpu.dma_semaphore, #tpu.memory_space<semaphore_mem>>
      tpu.wait_indirect_dma semaphore(%dma_wait3A_271 : memref<!tpu.dma_semaphore, #tpu.memory_space<semaphore_mem>>) src(%dma_wait3A_269 : memref<1000000x32xf32, #tpu.memory_space<hbm>>) dst(%dma_wait3A_262 : memref<128x32xf32, #tpu.memory_space<vmem>>)
      %jit3A_272 = arith.constant 4 : i32
      %div3A_273 = arith.divsi %add3A_206, %jit3A_272 : i32
      %sign3A_274 = arith.constant 0 : i32
      %sign3A_275 = arith.cmpi sgt, %add3A_206, %sign3A_274 : i32
      %sign3A_276 = arith.extui %sign3A_275 : i1 to i32
      %sign3A_277 = arith.constant 0 : i32
      %sign3A_278 = arith.cmpi slt, %add3A_206, %sign3A_277 : i32
      %sign3A_279 = arith.extui %sign3A_278 : i1 to i32
      %sign3A_280 = arith.subi %sign3A_276, %sign3A_279 : i32
      %sign3A_281 = arith.constant 0 : i32
      %sign3A_282 = arith.cmpi sgt, %jit3A_272, %sign3A_281 : i32
      %sign3A_283 = arith.extui %sign3A_282 : i1 to i32
      %sign3A_284 = arith.constant 0 : i32
      %sign3A_285 = arith.cmpi slt, %jit3A_272, %sign3A_284 : i32
      %sign3A_286 = arith.extui %sign3A_285 : i1 to i32
      %sign3A_287 = arith.subi %sign3A_283, %sign3A_286 : i32
      %ne3A_288 = arith.cmpi ne, %sign3A_280, %sign3A_287 : i32
      %rem3A_289 = arith.remsi %add3A_206, %jit3A_272 : i32
      %ne3A_290 = arith.constant 0 : i32
      %ne3A_291 = arith.cmpi ne, %rem3A_289, %ne3A_290 : i32
      %and3A_292 = arith.andi %ne3A_288, %ne3A_291 : i1
      %sub3A_293 = arith.constant 1 : i32
      %sub3A_294 = arith.subi %div3A_273, %sub3A_293 : i32
      %select_n3A_295 = arith.select %and3A_292, %sub3A_294, %div3A_273 : i32
      %jit3A_296 = arith.constant 4 : i32
      %eq3A_297 = arith.constant 0 : i32
      %eq3A_298 = arith.cmpi eq, %jit3A_296, %eq3A_297 : i32
      %jit3A_299 = arith.constant 1 : i32
      %select_n3A_300 = arith.select %eq3A_298, %jit3A_299, %jit3A_296 : i32
      %rem3A_301 = arith.remsi %add3A_206, %select_n3A_300 : i32
      %ne3A_302 = arith.constant 0 : i32
      %ne3A_303 = arith.cmpi ne, %rem3A_301, %ne3A_302 : i32
      %lt3A_304 = arith.constant 0 : i32
      %lt3A_305 = arith.cmpi slt, %rem3A_301, %lt3A_304 : i32
      %lt3A_306 = arith.constant 0 : i32
      %lt3A_307 = arith.cmpi slt, %select_n3A_300, %lt3A_306 : i32
      %ne3A_308 = arith.xori %lt3A_305, %lt3A_307 : i1
      %and3A_309 = arith.andi %ne3A_308, %ne3A_303 : i1
      %add3A_310 = arith.addi %rem3A_301, %select_n3A_300 : i32
      %select_n3A_311 = arith.select %and3A_309, %add3A_310, %rem3A_301 : i32
      %mul3A_312 = arith.constant 128 : i32
      %mul3A_313 = arith.muli %select_n3A_311, %mul3A_312 : i32
      %add3A_314 = arith.addi %mul3A_2, %mul3A_313 : i32
      %dma_start3A_315 = arith.constant 0 : i32
      %dma_start3A_316 = arith.constant 0 : i32
      %dma_start3A_317 = arith.constant 0 : i32
      %dma_start3A_318 = arith.constant 0 : i32
      %dma_start3A_319 = tpu.memref_slice %arg6[%dma_start3A_315, %dma_start3A_317, %dma_start3A_318] : memref<5x128x32xf32, #tpu.memory_space<vmem>> -> memref<1x128x32xf32, #tpu.memory_space<vmem>>
      %dma_start3A_320 = tpu.memref_squeeze %dma_start3A_319 : memref<1x128x32xf32, #tpu.memory_space<vmem>> -> memref<128x32xf32, #tpu.memory_space<vmem>>
      %dma_start3A_321 = arith.constant 0 : i32
      %dma_start3A_322 = arith.constant 0 : i32
      %dma_start3A_323 = tpu.memref_slice %arg4[%select_n3A_295, %dma_start3A_321, %dma_start3A_322] : memref<50x16384x32xf32, #tpu.memory_space<hbm>> -> memref<1x16384x32xf32, #tpu.memory_space<hbm>>
      %dma_start3A_324 = tpu.memref_squeeze %dma_start3A_323 : memref<1x16384x32xf32, #tpu.memory_space<hbm>> -> memref<16384x32xf32, #tpu.memory_space<hbm>>
      %dma_start3A_325 = arith.constant 0 : i32
      %dma_start3A_326 = tpu.memref_slice %dma_start3A_324[%add3A_314, %dma_start3A_325] : memref<16384x32xf32, #tpu.memory_space<hbm>> -> memref<128x32xf32, #tpu.memory_space<hbm>>
      %dma_start3A_327 = tpu.memref_slice %arg9[%dma_start3A_316] : memref<5x!tpu.dma_semaphore, #tpu.memory_space<semaphore_mem>> -> memref<1x!tpu.dma_semaphore, #tpu.memory_space<semaphore_mem>>
      %dma_start3A_328 = tpu.memref_squeeze %dma_start3A_327 : memref<1x!tpu.dma_semaphore, #tpu.memory_space<semaphore_mem>> -> memref<!tpu.dma_semaphore, #tpu.memory_space<semaphore_mem>>
      %dma_start3A_329 = arith.constant 0 : i32
      %dma_start3A_330 = arith.constant 0 : i32
      %dma_start3A_331 = tpu.memref_slice %arg4[%select_n3A_295, %dma_start3A_329, %dma_start3A_330] : memref<50x16384x32xf32, #tpu.memory_space<hbm>> -> memref<1x16384x32xf32, #tpu.memory_space<hbm>>
      %dma_start3A_332 = tpu.memref_squeeze %dma_start3A_331 : memref<1x16384x32xf32, #tpu.memory_space<hbm>> -> memref<16384x32xf32, #tpu.memory_space<hbm>>
      %dma_start3A_333 = arith.constant 0 : i32
      %dma_start3A_334 = tpu.memref_slice %dma_start3A_332[%add3A_314, %dma_start3A_333] : memref<16384x32xf32, #tpu.memory_space<hbm>> -> memref<128x32xf32, #tpu.memory_space<hbm>>
      %dma_start3A_335 = arith.constant 0 : i32
      %dma_start3A_336 = arith.constant 0 : i32
      %dma_start3A_337 = tpu.memref_slice %arg6[%dma_start3A_315, %dma_start3A_335, %dma_start3A_336] : memref<5x128x32xf32, #tpu.memory_space<vmem>> -> memref<1x128x32xf32, #tpu.memory_space<vmem>>
      %dma_start3A_338 = tpu.memref_squeeze %dma_start3A_337 : memref<1x128x32xf32, #tpu.memory_space<vmem>> -> memref<128x32xf32, #tpu.memory_space<vmem>>
      tpu.enqueue_dma source(%dma_start3A_338 : memref<128x32xf32, #tpu.memory_space<vmem>>) target(%dma_start3A_334 : memref<128x32xf32, #tpu.memory_space<hbm>>) target_semaphore(%dma_start3A_328 : memref<!tpu.dma_semaphore, #tpu.memory_space<semaphore_mem>>)
      %mul3A_339 = arith.constant 5 : i32
      %mul3A_340 = arith.muli %scan3A_201, %mul3A_339 : i32
      %add3A_341 = arith.constant 1 : i32
      %add3A_342 = arith.addi %mul3A_340, %add3A_341 : i32
      %add3A_343 = arith.constant 3 : i32
      %add3A_344 = arith.addi %add3A_342, %add3A_343 : i32
      %lt3A_345 = arith.constant 200 : i32
      %lt3A_346 = arith.cmpi slt, %add3A_344, %lt3A_345 : i32
      %add3A_347 = arith.constant 3 : i32
      %add3A_348 = arith.addi %add3A_342, %add3A_347 : i32
      %sub3A_349 = arith.constant 5 : i32
      %sub3A_350 = arith.subi %add3A_348, %sub3A_349 : i32
      %ge3A_351 = arith.constant 0 : i32
      %ge3A_352 = arith.cmpi sge, %sub3A_350, %ge3A_351 : i32
      %and3A_353 = arith.andi %lt3A_346, %ge3A_352 : i1
      %convert_element_type3A_354 = arith.extui %and3A_353 : i1 to i32
      %cond3A_355 = arith.constant 0 : i32
      %cond3A_356 = arith.cmpi ne, %convert_element_type3A_354, %cond3A_355 : i32
      scf.if %cond3A_356 {
        %add3A_936 = arith.constant 3 : i32
        %add3A_937 = arith.addi %add3A_342, %add3A_936 : i32
        %sub3A_938 = arith.constant 5 : i32
        %sub3A_939 = arith.subi %add3A_937, %sub3A_938 : i32
        %jit3A_940 = arith.constant 4 : i32
        %div3A_941 = arith.divsi %sub3A_939, %jit3A_940 : i32
        %sign3A_942 = arith.constant 0 : i32
        %sign3A_943 = arith.cmpi sgt, %sub3A_939, %sign3A_942 : i32
        %sign3A_944 = arith.extui %sign3A_943 : i1 to i32
        %sign3A_945 = arith.constant 0 : i32
        %sign3A_946 = arith.cmpi slt, %sub3A_939, %sign3A_945 : i32
        %sign3A_947 = arith.extui %sign3A_946 : i1 to i32
        %sign3A_948 = arith.subi %sign3A_944, %sign3A_947 : i32
        %sign3A_949 = arith.constant 0 : i32
        %sign3A_950 = arith.cmpi sgt, %jit3A_940, %sign3A_949 : i32
        %sign3A_951 = arith.extui %sign3A_950 : i1 to i32
        %sign3A_952 = arith.constant 0 : i32
        %sign3A_953 = arith.cmpi slt, %jit3A_940, %sign3A_952 : i32
        %sign3A_954 = arith.extui %sign3A_953 : i1 to i32
        %sign3A_955 = arith.subi %sign3A_951, %sign3A_954 : i32
        %ne3A_956 = arith.cmpi ne, %sign3A_948, %sign3A_955 : i32
        %rem3A_957 = arith.remsi %sub3A_939, %jit3A_940 : i32
        %ne3A_958 = arith.constant 0 : i32
        %ne3A_959 = arith.cmpi ne, %rem3A_957, %ne3A_958 : i32
        %and3A_960 = arith.andi %ne3A_956, %ne3A_959 : i1
        %sub3A_961 = arith.constant 1 : i32
        %sub3A_962 = arith.subi %div3A_941, %sub3A_961 : i32
        %select_n3A_963 = arith.select %and3A_960, %sub3A_962, %div3A_941 : i32
        %jit3A_964 = arith.constant 4 : i32
        %eq3A_965 = arith.constant 0 : i32
        %eq3A_966 = arith.cmpi eq, %jit3A_964, %eq3A_965 : i32
        %jit3A_967 = arith.constant 1 : i32
        %select_n3A_968 = arith.select %eq3A_966, %jit3A_967, %jit3A_964 : i32
        %rem3A_969 = arith.remsi %sub3A_939, %select_n3A_968 : i32
        %ne3A_970 = arith.constant 0 : i32
        %ne3A_971 = arith.cmpi ne, %rem3A_969, %ne3A_970 : i32
        %lt3A_972 = arith.constant 0 : i32
        %lt3A_973 = arith.cmpi slt, %rem3A_969, %lt3A_972 : i32
        %lt3A_974 = arith.constant 0 : i32
        %lt3A_975 = arith.cmpi slt, %select_n3A_968, %lt3A_974 : i32
        %ne3A_976 = arith.xori %lt3A_973, %lt3A_975 : i1
        %and3A_977 = arith.andi %ne3A_976, %ne3A_971 : i1
        %add3A_978 = arith.addi %rem3A_969, %select_n3A_968 : i32
        %select_n3A_979 = arith.select %and3A_977, %add3A_978, %rem3A_969 : i32
        %mul3A_980 = arith.constant 128 : i32
        %mul3A_981 = arith.muli %select_n3A_979, %mul3A_980 : i32
        %add3A_982 = arith.addi %mul3A_2, %mul3A_981 : i32
        %dma_wait3A_983 = arith.constant 4 : i32
        %dma_wait3A_984 = arith.constant 4 : i32
        %dma_wait3A_985 = arith.constant 0 : i32
        %dma_wait3A_986 = arith.constant 0 : i32
        %dma_wait3A_987 = tpu.memref_slice %arg6[%dma_wait3A_983, %dma_wait3A_985, %dma_wait3A_986] : memref<5x128x32xf32, #tpu.memory_space<vmem>> -> memref<1x128x32xf32, #tpu.memory_space<vmem>>
        %dma_wait3A_988 = tpu.memref_squeeze %dma_wait3A_987 : memref<1x128x32xf32, #tpu.memory_space<vmem>> -> memref<128x32xf32, #tpu.memory_space<vmem>>
        %dma_wait3A_989 = arith.constant 0 : i32
        %dma_wait3A_990 = arith.constant 0 : i32
        %dma_wait3A_991 = tpu.memref_slice %arg4[%select_n3A_963, %dma_wait3A_989, %dma_wait3A_990] : memref<50x16384x32xf32, #tpu.memory_space<hbm>> -> memref<1x16384x32xf32, #tpu.memory_space<hbm>>
        %dma_wait3A_992 = tpu.memref_squeeze %dma_wait3A_991 : memref<1x16384x32xf32, #tpu.memory_space<hbm>> -> memref<16384x32xf32, #tpu.memory_space<hbm>>
        %dma_wait3A_993 = arith.constant 0 : i32
        %dma_wait3A_994 = tpu.memref_slice %dma_wait3A_992[%add3A_982, %dma_wait3A_993] : memref<16384x32xf32, #tpu.memory_space<hbm>> -> memref<128x32xf32, #tpu.memory_space<hbm>>
        %dma_wait3A_995 = tpu.memref_slice %arg9[%dma_wait3A_984] : memref<5x!tpu.dma_semaphore, #tpu.memory_space<semaphore_mem>> -> memref<1x!tpu.dma_semaphore, #tpu.memory_space<semaphore_mem>>
        %dma_wait3A_996 = tpu.memref_squeeze %dma_wait3A_995 : memref<1x!tpu.dma_semaphore, #tpu.memory_space<semaphore_mem>> -> memref<!tpu.dma_semaphore, #tpu.memory_space<semaphore_mem>>
        %dma_wait3A_997 = arith.constant 0 : i32
        %dma_wait3A_998 = arith.constant 0 : i32
        %dma_wait3A_999 = tpu.memref_slice %arg4[%select_n3A_963, %dma_wait3A_997, %dma_wait3A_998] : memref<50x16384x32xf32, #tpu.memory_space<hbm>> -> memref<1x16384x32xf32, #tpu.memory_space<hbm>>
        %dma_wait3A_1000 = tpu.memref_squeeze %dma_wait3A_999 : memref<1x16384x32xf32, #tpu.memory_space<hbm>> -> memref<16384x32xf32, #tpu.memory_space<hbm>>
        %dma_wait3A_1001 = arith.constant 0 : i32
        %dma_wait3A_1002 = tpu.memref_slice %dma_wait3A_1000[%add3A_982, %dma_wait3A_1001] : memref<16384x32xf32, #tpu.memory_space<hbm>> -> memref<128x32xf32, #tpu.memory_space<hbm>>
        %dma_wait3A_1003 = arith.constant 0 : i32
        %dma_wait3A_1004 = arith.constant 0 : i32
        %dma_wait3A_1005 = tpu.memref_slice %arg6[%dma_wait3A_983, %dma_wait3A_1003, %dma_wait3A_1004] : memref<5x128x32xf32, #tpu.memory_space<vmem>> -> memref<1x128x32xf32, #tpu.memory_space<vmem>>
        %dma_wait3A_1006 = tpu.memref_squeeze %dma_wait3A_1005 : memref<1x128x32xf32, #tpu.memory_space<vmem>> -> memref<128x32xf32, #tpu.memory_space<vmem>>
        tpu.wait_dma2 semaphore(%dma_wait3A_996 : memref<!tpu.dma_semaphore, #tpu.memory_space<semaphore_mem>>) src(%dma_wait3A_1006 : memref<128x32xf32, #tpu.memory_space<vmem>>) dst(%dma_wait3A_1002 : memref<128x32xf32, #tpu.memory_space<hbm>>)
      } else {
      }
      %add3A_357 = arith.constant 3 : i32
      %add3A_358 = arith.addi %add3A_342, %add3A_357 : i32
      %lt3A_359 = arith.constant 200 : i32
      %lt3A_360 = arith.cmpi slt, %add3A_358, %lt3A_359 : i32
      %convert_element_type3A_361 = arith.extui %lt3A_360 : i1 to i32
      %cond3A_362 = arith.constant 0 : i32
      %cond3A_363 = arith.cmpi ne, %convert_element_type3A_361, %cond3A_362 : i32
      scf.if %cond3A_363 {
        %add3A_936 = arith.constant 3 : i32
        %add3A_937 = arith.addi %add3A_342, %add3A_936 : i32
        %jit3A_938 = arith.constant 4 : i32
        %div3A_939 = arith.divsi %add3A_937, %jit3A_938 : i32
        %sign3A_940 = arith.constant 0 : i32
        %sign3A_941 = arith.cmpi sgt, %add3A_937, %sign3A_940 : i32
        %sign3A_942 = arith.extui %sign3A_941 : i1 to i32
        %sign3A_943 = arith.constant 0 : i32
        %sign3A_944 = arith.cmpi slt, %add3A_937, %sign3A_943 : i32
        %sign3A_945 = arith.extui %sign3A_944 : i1 to i32
        %sign3A_946 = arith.subi %sign3A_942, %sign3A_945 : i32
        %sign3A_947 = arith.constant 0 : i32
        %sign3A_948 = arith.cmpi sgt, %jit3A_938, %sign3A_947 : i32
        %sign3A_949 = arith.extui %sign3A_948 : i1 to i32
        %sign3A_950 = arith.constant 0 : i32
        %sign3A_951 = arith.cmpi slt, %jit3A_938, %sign3A_950 : i32
        %sign3A_952 = arith.extui %sign3A_951 : i1 to i32
        %sign3A_953 = arith.subi %sign3A_949, %sign3A_952 : i32
        %ne3A_954 = arith.cmpi ne, %sign3A_946, %sign3A_953 : i32
        %rem3A_955 = arith.remsi %add3A_937, %jit3A_938 : i32
        %ne3A_956 = arith.constant 0 : i32
        %ne3A_957 = arith.cmpi ne, %rem3A_955, %ne3A_956 : i32
        %and3A_958 = arith.andi %ne3A_954, %ne3A_957 : i1
        %sub3A_959 = arith.constant 1 : i32
        %sub3A_960 = arith.subi %div3A_939, %sub3A_959 : i32
        %select_n3A_961 = arith.select %and3A_958, %sub3A_960, %div3A_939 : i32
        %jit3A_962 = arith.constant 4 : i32
        %eq3A_963 = arith.constant 0 : i32
        %eq3A_964 = arith.cmpi eq, %jit3A_962, %eq3A_963 : i32
        %jit3A_965 = arith.constant 1 : i32
        %select_n3A_966 = arith.select %eq3A_964, %jit3A_965, %jit3A_962 : i32
        %rem3A_967 = arith.remsi %add3A_937, %select_n3A_966 : i32
        %ne3A_968 = arith.constant 0 : i32
        %ne3A_969 = arith.cmpi ne, %rem3A_967, %ne3A_968 : i32
        %lt3A_970 = arith.constant 0 : i32
        %lt3A_971 = arith.cmpi slt, %rem3A_967, %lt3A_970 : i32
        %lt3A_972 = arith.constant 0 : i32
        %lt3A_973 = arith.cmpi slt, %select_n3A_966, %lt3A_972 : i32
        %ne3A_974 = arith.xori %lt3A_971, %lt3A_973 : i1
        %and3A_975 = arith.andi %ne3A_974, %ne3A_969 : i1
        %add3A_976 = arith.addi %rem3A_967, %select_n3A_966 : i32
        %select_n3A_977 = arith.select %and3A_975, %add3A_976, %rem3A_967 : i32
        %mul3A_978 = arith.constant 128 : i32
        %mul3A_979 = arith.muli %select_n3A_977, %mul3A_978 : i32
        %dma_start3A_980 = arith.constant 4 : i32
        %dma_start3A_981 = arith.constant 4 : i32
        %dma_start3A_982 = arith.constant 0 : i32
        %dma_start3A_983 = arith.constant 0 : i32
        %dma_start3A_984 = tpu.memref_slice %arg6[%dma_start3A_980, %dma_start3A_982, %dma_start3A_983] : memref<5x128x32xf32, #tpu.memory_space<vmem>> -> memref<1x128x32xf32, #tpu.memory_space<vmem>>
        %dma_start3A_985 = tpu.memref_squeeze %dma_start3A_984 : memref<1x128x32xf32, #tpu.memory_space<vmem>> -> memref<128x32xf32, #tpu.memory_space<vmem>>
        %dma_start3A_986 = arith.constant 0 : i32
        %dma_start3A_987 = tpu.memref_slice %arg5[%select_n3A_961, %dma_start3A_986] : memref<50x512xi32, #tpu.memory_space<vmem>> -> memref<1x512xi32, #tpu.memory_space<vmem>>
        %dma_start3A_988 = tpu.memref_squeeze %dma_start3A_987 : memref<1x512xi32, #tpu.memory_space<vmem>> -> memref<512xi32, #tpu.memory_space<vmem>>
        %dma_start3A_989 = tpu.memref_slice %dma_start3A_988[%mul3A_979] : memref<512xi32, #tpu.memory_space<vmem>> -> memref<128xi32, #tpu.memory_space<vmem>>
        %dma_start3A_990 = arith.constant 0 : i32
        %dma_start3A_991 = arith.constant 0 : i32
        %dma_start3A_992 = tpu.memref_slice %arg3[%dma_start3A_990, %dma_start3A_991] : memref<1000000x32xf32, #tpu.memory_space<hbm>> -> memref<1000000x32xf32, #tpu.memory_space<hbm>>
        %dma_start3A_993 = tpu.memref_slice %arg8[%dma_start3A_981] : memref<5x!tpu.dma_semaphore, #tpu.memory_space<semaphore_mem>> -> memref<1x!tpu.dma_semaphore, #tpu.memory_space<semaphore_mem>>
        %dma_start3A_994 = tpu.memref_squeeze %dma_start3A_993 : memref<1x!tpu.dma_semaphore, #tpu.memory_space<semaphore_mem>> -> memref<!tpu.dma_semaphore, #tpu.memory_space<semaphore_mem>>
        tpu.enqueue_indirect_dma source(%dma_start3A_992 : memref<1000000x32xf32, #tpu.memory_space<hbm>>) target(%dma_start3A_985 : memref<128x32xf32, #tpu.memory_space<vmem>>) offsets(%dma_start3A_989 : memref<128xi32, #tpu.memory_space<vmem>>) semaphore(%dma_start3A_994 : memref<!tpu.dma_semaphore, #tpu.memory_space<semaphore_mem>>)
      } else {
      }
      %jit3A_364 = arith.constant 4 : i32
      %div3A_365 = arith.divsi %add3A_342, %jit3A_364 : i32
      %sign3A_366 = arith.constant 0 : i32
      %sign3A_367 = arith.cmpi sgt, %add3A_342, %sign3A_366 : i32
      %sign3A_368 = arith.extui %sign3A_367 : i1 to i32
      %sign3A_369 = arith.constant 0 : i32
      %sign3A_370 = arith.cmpi slt, %add3A_342, %sign3A_369 : i32
      %sign3A_371 = arith.extui %sign3A_370 : i1 to i32
      %sign3A_372 = arith.subi %sign3A_368, %sign3A_371 : i32
      %sign3A_373 = arith.constant 0 : i32
      %sign3A_374 = arith.cmpi sgt, %jit3A_364, %sign3A_373 : i32
      %sign3A_375 = arith.extui %sign3A_374 : i1 to i32
      %sign3A_376 = arith.constant 0 : i32
      %sign3A_377 = arith.cmpi slt, %jit3A_364, %sign3A_376 : i32
      %sign3A_378 = arith.extui %sign3A_377 : i1 to i32
      %sign3A_379 = arith.subi %sign3A_375, %sign3A_378 : i32
      %ne3A_380 = arith.cmpi ne, %sign3A_372, %sign3A_379 : i32
      %rem3A_381 = arith.remsi %add3A_342, %jit3A_364 : i32
      %ne3A_382 = arith.constant 0 : i32
      %ne3A_383 = arith.cmpi ne, %rem3A_381, %ne3A_382 : i32
      %and3A_384 = arith.andi %ne3A_380, %ne3A_383 : i1
      %sub3A_385 = arith.constant 1 : i32
      %sub3A_386 = arith.subi %div3A_365, %sub3A_385 : i32
      %select_n3A_387 = arith.select %and3A_384, %sub3A_386, %div3A_365 : i32
      %jit3A_388 = arith.constant 4 : i32
      %eq3A_389 = arith.constant 0 : i32
      %eq3A_390 = arith.cmpi eq, %jit3A_388, %eq3A_389 : i32
      %jit3A_391 = arith.constant 1 : i32
      %select_n3A_392 = arith.select %eq3A_390, %jit3A_391, %jit3A_388 : i32
      %rem3A_393 = arith.remsi %add3A_342, %select_n3A_392 : i32
      %ne3A_394 = arith.constant 0 : i32
      %ne3A_395 = arith.cmpi ne, %rem3A_393, %ne3A_394 : i32
      %lt3A_396 = arith.constant 0 : i32
      %lt3A_397 = arith.cmpi slt, %rem3A_393, %lt3A_396 : i32
      %lt3A_398 = arith.constant 0 : i32
      %lt3A_399 = arith.cmpi slt, %select_n3A_392, %lt3A_398 : i32
      %ne3A_400 = arith.xori %lt3A_397, %lt3A_399 : i1
      %and3A_401 = arith.andi %ne3A_400, %ne3A_395 : i1
      %add3A_402 = arith.addi %rem3A_393, %select_n3A_392 : i32
      %select_n3A_403 = arith.select %and3A_401, %add3A_402, %rem3A_393 : i32
      %mul3A_404 = arith.constant 128 : i32
      %mul3A_405 = arith.muli %select_n3A_403, %mul3A_404 : i32
      %dma_wait3A_406 = arith.constant 1 : i32
      %dma_wait3A_407 = arith.constant 1 : i32
      %dma_wait3A_408 = arith.constant 0 : i32
      %dma_wait3A_409 = arith.constant 0 : i32
      %dma_wait3A_410 = tpu.memref_slice %arg6[%dma_wait3A_406, %dma_wait3A_408, %dma_wait3A_409] : memref<5x128x32xf32, #tpu.memory_space<vmem>> -> memref<1x128x32xf32, #tpu.memory_space<vmem>>
      %dma_wait3A_411 = tpu.memref_squeeze %dma_wait3A_410 : memref<1x128x32xf32, #tpu.memory_space<vmem>> -> memref<128x32xf32, #tpu.memory_space<vmem>>
      %dma_wait3A_412 = arith.constant 0 : i32
      %dma_wait3A_413 = tpu.memref_slice %arg5[%select_n3A_387, %dma_wait3A_412] : memref<50x512xi32, #tpu.memory_space<vmem>> -> memref<1x512xi32, #tpu.memory_space<vmem>>
      %dma_wait3A_414 = tpu.memref_squeeze %dma_wait3A_413 : memref<1x512xi32, #tpu.memory_space<vmem>> -> memref<512xi32, #tpu.memory_space<vmem>>
      %dma_wait3A_415 = tpu.memref_slice %dma_wait3A_414[%mul3A_405] : memref<512xi32, #tpu.memory_space<vmem>> -> memref<128xi32, #tpu.memory_space<vmem>>
      %dma_wait3A_416 = arith.constant 0 : i32
      %dma_wait3A_417 = arith.constant 0 : i32
      %dma_wait3A_418 = tpu.memref_slice %arg3[%dma_wait3A_416, %dma_wait3A_417] : memref<1000000x32xf32, #tpu.memory_space<hbm>> -> memref<1000000x32xf32, #tpu.memory_space<hbm>>
      %dma_wait3A_419 = tpu.memref_slice %arg8[%dma_wait3A_407] : memref<5x!tpu.dma_semaphore, #tpu.memory_space<semaphore_mem>> -> memref<1x!tpu.dma_semaphore, #tpu.memory_space<semaphore_mem>>
      %dma_wait3A_420 = tpu.memref_squeeze %dma_wait3A_419 : memref<1x!tpu.dma_semaphore, #tpu.memory_space<semaphore_mem>> -> memref<!tpu.dma_semaphore, #tpu.memory_space<semaphore_mem>>
      tpu.wait_indirect_dma semaphore(%dma_wait3A_420 : memref<!tpu.dma_semaphore, #tpu.memory_space<semaphore_mem>>) src(%dma_wait3A_418 : memref<1000000x32xf32, #tpu.memory_space<hbm>>) dst(%dma_wait3A_411 : memref<128x32xf32, #tpu.memory_space<vmem>>)
      %jit3A_421 = arith.constant 4 : i32
      %div3A_422 = arith.divsi %add3A_342, %jit3A_421 : i32
      %sign3A_423 = arith.constant 0 : i32
      %sign3A_424 = arith.cmpi sgt, %add3A_342, %sign3A_423 : i32
      %sign3A_425 = arith.extui %sign3A_424 : i1 to i32
      %sign3A_426 = arith.constant 0 : i32
      %sign3A_427 = arith.cmpi slt, %add3A_342, %sign3A_426 : i32
      %sign3A_428 = arith.extui %sign3A_427 : i1 to i32
      %sign3A_429 = arith.subi %sign3A_425, %sign3A_428 : i32
      %sign3A_430 = arith.constant 0 : i32
      %sign3A_431 = arith.cmpi sgt, %jit3A_421, %sign3A_430 : i32
      %sign3A_432 = arith.extui %sign3A_431 : i1 to i32
      %sign3A_433 = arith.constant 0 : i32
      %sign3A_434 = arith.cmpi slt, %jit3A_421, %sign3A_433 : i32
      %sign3A_435 = arith.extui %sign3A_434 : i1 to i32
      %sign3A_436 = arith.subi %sign3A_432, %sign3A_435 : i32
      %ne3A_437 = arith.cmpi ne, %sign3A_429, %sign3A_436 : i32
      %rem3A_438 = arith.remsi %add3A_342, %jit3A_421 : i32
      %ne3A_439 = arith.constant 0 : i32
      %ne3A_440 = arith.cmpi ne, %rem3A_438, %ne3A_439 : i32
      %and3A_441 = arith.andi %ne3A_437, %ne3A_440 : i1
      %sub3A_442 = arith.constant 1 : i32
      %sub3A_443 = arith.subi %div3A_422, %sub3A_442 : i32
      %select_n3A_444 = arith.select %and3A_441, %sub3A_443, %div3A_422 : i32
      %jit3A_445 = arith.constant 4 : i32
      %eq3A_446 = arith.constant 0 : i32
      %eq3A_447 = arith.cmpi eq, %jit3A_445, %eq3A_446 : i32
      %jit3A_448 = arith.constant 1 : i32
      %select_n3A_449 = arith.select %eq3A_447, %jit3A_448, %jit3A_445 : i32
      %rem3A_450 = arith.remsi %add3A_342, %select_n3A_449 : i32
      %ne3A_451 = arith.constant 0 : i32
      %ne3A_452 = arith.cmpi ne, %rem3A_450, %ne3A_451 : i32
      %lt3A_453 = arith.constant 0 : i32
      %lt3A_454 = arith.cmpi slt, %rem3A_450, %lt3A_453 : i32
      %lt3A_455 = arith.constant 0 : i32
      %lt3A_456 = arith.cmpi slt, %select_n3A_449, %lt3A_455 : i32
      %ne3A_457 = arith.xori %lt3A_454, %lt3A_456 : i1
      %and3A_458 = arith.andi %ne3A_457, %ne3A_452 : i1
      %add3A_459 = arith.addi %rem3A_450, %select_n3A_449 : i32
      %select_n3A_460 = arith.select %and3A_458, %add3A_459, %rem3A_450 : i32
      %mul3A_461 = arith.constant 128 : i32
      %mul3A_462 = arith.muli %select_n3A_460, %mul3A_461 : i32
      %add3A_463 = arith.addi %mul3A_2, %mul3A_462 : i32
      %dma_start3A_464 = arith.constant 1 : i32
      %dma_start3A_465 = arith.constant 1 : i32
      %dma_start3A_466 = arith.constant 0 : i32
      %dma_start3A_467 = arith.constant 0 : i32
      %dma_start3A_468 = tpu.memref_slice %arg6[%dma_start3A_464, %dma_start3A_466, %dma_start3A_467] : memref<5x128x32xf32, #tpu.memory_space<vmem>> -> memref<1x128x32xf32, #tpu.memory_space<vmem>>
      %dma_start3A_469 = tpu.memref_squeeze %dma_start3A_468 : memref<1x128x32xf32, #tpu.memory_space<vmem>> -> memref<128x32xf32, #tpu.memory_space<vmem>>
      %dma_start3A_470 = arith.constant 0 : i32
      %dma_start3A_471 = arith.constant 0 : i32
      %dma_start3A_472 = tpu.memref_slice %arg4[%select_n3A_444, %dma_start3A_470, %dma_start3A_471] : memref<50x16384x32xf32, #tpu.memory_space<hbm>> -> memref<1x16384x32xf32, #tpu.memory_space<hbm>>
      %dma_start3A_473 = tpu.memref_squeeze %dma_start3A_472 : memref<1x16384x32xf32, #tpu.memory_space<hbm>> -> memref<16384x32xf32, #tpu.memory_space<hbm>>
      %dma_start3A_474 = arith.constant 0 : i32
      %dma_start3A_475 = tpu.memref_slice %dma_start3A_473[%add3A_463, %dma_start3A_474] : memref<16384x32xf32, #tpu.memory_space<hbm>> -> memref<128x32xf32, #tpu.memory_space<hbm>>
      %dma_start3A_476 = tpu.memref_slice %arg9[%dma_start3A_465] : memref<5x!tpu.dma_semaphore, #tpu.memory_space<semaphore_mem>> -> memref<1x!tpu.dma_semaphore, #tpu.memory_space<semaphore_mem>>
      %dma_start3A_477 = tpu.memref_squeeze %dma_start3A_476 : memref<1x!tpu.dma_semaphore, #tpu.memory_space<semaphore_mem>> -> memref<!tpu.dma_semaphore, #tpu.memory_space<semaphore_mem>>
      %dma_start3A_478 = arith.constant 0 : i32
      %dma_start3A_479 = arith.constant 0 : i32
      %dma_start3A_480 = tpu.memref_slice %arg4[%select_n3A_444, %dma_start3A_478, %dma_start3A_479] : memref<50x16384x32xf32, #tpu.memory_space<hbm>> -> memref<1x16384x32xf32, #tpu.memory_space<hbm>>
      %dma_start3A_481 = tpu.memref_squeeze %dma_start3A_480 : memref<1x16384x32xf32, #tpu.memory_space<hbm>> -> memref<16384x32xf32, #tpu.memory_space<hbm>>
      %dma_start3A_482 = arith.constant 0 : i32
      %dma_start3A_483 = tpu.memref_slice %dma_start3A_481[%add3A_463, %dma_start3A_482] : memref<16384x32xf32, #tpu.memory_space<hbm>> -> memref<128x32xf32, #tpu.memory_space<hbm>>
      %dma_start3A_484 = arith.constant 0 : i32
      %dma_start3A_485 = arith.constant 0 : i32
      %dma_start3A_486 = tpu.memref_slice %arg6[%dma_start3A_464, %dma_start3A_484, %dma_start3A_485] : memref<5x128x32xf32, #tpu.memory_space<vmem>> -> memref<1x128x32xf32, #tpu.memory_space<vmem>>
      %dma_start3A_487 = tpu.memref_squeeze %dma_start3A_486 : memref<1x128x32xf32, #tpu.memory_space<vmem>> -> memref<128x32xf32, #tpu.memory_space<vmem>>
      tpu.enqueue_dma source(%dma_start3A_487 : memref<128x32xf32, #tpu.memory_space<vmem>>) target(%dma_start3A_483 : memref<128x32xf32, #tpu.memory_space<hbm>>) target_semaphore(%dma_start3A_477 : memref<!tpu.dma_semaphore, #tpu.memory_space<semaphore_mem>>)
      %mul3A_488 = arith.constant 5 : i32
      %mul3A_489 = arith.muli %scan3A_201, %mul3A_488 : i32
      %add3A_490 = arith.constant 2 : i32
      %add3A_491 = arith.addi %mul3A_489, %add3A_490 : i32
      %add3A_492 = arith.constant 3 : i32
      %add3A_493 = arith.addi %add3A_491, %add3A_492 : i32
      %lt3A_494 = arith.constant 200 : i32
      %lt3A_495 = arith.cmpi slt, %add3A_493, %lt3A_494 : i32
      %add3A_496 = arith.constant 3 : i32
      %add3A_497 = arith.addi %add3A_491, %add3A_496 : i32
      %sub3A_498 = arith.constant 5 : i32
      %sub3A_499 = arith.subi %add3A_497, %sub3A_498 : i32
      %ge3A_500 = arith.constant 0 : i32
      %ge3A_501 = arith.cmpi sge, %sub3A_499, %ge3A_500 : i32
      %and3A_502 = arith.andi %lt3A_495, %ge3A_501 : i1
      %convert_element_type3A_503 = arith.extui %and3A_502 : i1 to i32
      %cond3A_504 = arith.constant 0 : i32
      %cond3A_505 = arith.cmpi ne, %convert_element_type3A_503, %cond3A_504 : i32
      scf.if %cond3A_505 {
        %add3A_936 = arith.constant 3 : i32
        %add3A_937 = arith.addi %add3A_491, %add3A_936 : i32
        %sub3A_938 = arith.constant 5 : i32
        %sub3A_939 = arith.subi %add3A_937, %sub3A_938 : i32
        %jit3A_940 = arith.constant 4 : i32
        %div3A_941 = arith.divsi %sub3A_939, %jit3A_940 : i32
        %sign3A_942 = arith.constant 0 : i32
        %sign3A_943 = arith.cmpi sgt, %sub3A_939, %sign3A_942 : i32
        %sign3A_944 = arith.extui %sign3A_943 : i1 to i32
        %sign3A_945 = arith.constant 0 : i32
        %sign3A_946 = arith.cmpi slt, %sub3A_939, %sign3A_945 : i32
        %sign3A_947 = arith.extui %sign3A_946 : i1 to i32
        %sign3A_948 = arith.subi %sign3A_944, %sign3A_947 : i32
        %sign3A_949 = arith.constant 0 : i32
        %sign3A_950 = arith.cmpi sgt, %jit3A_940, %sign3A_949 : i32
        %sign3A_951 = arith.extui %sign3A_950 : i1 to i32
        %sign3A_952 = arith.constant 0 : i32
        %sign3A_953 = arith.cmpi slt, %jit3A_940, %sign3A_952 : i32
        %sign3A_954 = arith.extui %sign3A_953 : i1 to i32
        %sign3A_955 = arith.subi %sign3A_951, %sign3A_954 : i32
        %ne3A_956 = arith.cmpi ne, %sign3A_948, %sign3A_955 : i32
        %rem3A_957 = arith.remsi %sub3A_939, %jit3A_940 : i32
        %ne3A_958 = arith.constant 0 : i32
        %ne3A_959 = arith.cmpi ne, %rem3A_957, %ne3A_958 : i32
        %and3A_960 = arith.andi %ne3A_956, %ne3A_959 : i1
        %sub3A_961 = arith.constant 1 : i32
        %sub3A_962 = arith.subi %div3A_941, %sub3A_961 : i32
        %select_n3A_963 = arith.select %and3A_960, %sub3A_962, %div3A_941 : i32
        %jit3A_964 = arith.constant 4 : i32
        %eq3A_965 = arith.constant 0 : i32
        %eq3A_966 = arith.cmpi eq, %jit3A_964, %eq3A_965 : i32
        %jit3A_967 = arith.constant 1 : i32
        %select_n3A_968 = arith.select %eq3A_966, %jit3A_967, %jit3A_964 : i32
        %rem3A_969 = arith.remsi %sub3A_939, %select_n3A_968 : i32
        %ne3A_970 = arith.constant 0 : i32
        %ne3A_971 = arith.cmpi ne, %rem3A_969, %ne3A_970 : i32
        %lt3A_972 = arith.constant 0 : i32
        %lt3A_973 = arith.cmpi slt, %rem3A_969, %lt3A_972 : i32
        %lt3A_974 = arith.constant 0 : i32
        %lt3A_975 = arith.cmpi slt, %select_n3A_968, %lt3A_974 : i32
        %ne3A_976 = arith.xori %lt3A_973, %lt3A_975 : i1
        %and3A_977 = arith.andi %ne3A_976, %ne3A_971 : i1
        %add3A_978 = arith.addi %rem3A_969, %select_n3A_968 : i32
        %select_n3A_979 = arith.select %and3A_977, %add3A_978, %rem3A_969 : i32
        %mul3A_980 = arith.constant 128 : i32
        %mul3A_981 = arith.muli %select_n3A_979, %mul3A_980 : i32
        %add3A_982 = arith.addi %mul3A_2, %mul3A_981 : i32
        %dma_wait3A_983 = arith.constant 0 : i32
        %dma_wait3A_984 = arith.constant 0 : i32
        %dma_wait3A_985 = arith.constant 0 : i32
        %dma_wait3A_986 = arith.constant 0 : i32
        %dma_wait3A_987 = tpu.memref_slice %arg6[%dma_wait3A_983, %dma_wait3A_985, %dma_wait3A_986] : memref<5x128x32xf32, #tpu.memory_space<vmem>> -> memref<1x128x32xf32, #tpu.memory_space<vmem>>
        %dma_wait3A_988 = tpu.memref_squeeze %dma_wait3A_987 : memref<1x128x32xf32, #tpu.memory_space<vmem>> -> memref<128x32xf32, #tpu.memory_space<vmem>>
        %dma_wait3A_989 = arith.constant 0 : i32
        %dma_wait3A_990 = arith.constant 0 : i32
        %dma_wait3A_991 = tpu.memref_slice %arg4[%select_n3A_963, %dma_wait3A_989, %dma_wait3A_990] : memref<50x16384x32xf32, #tpu.memory_space<hbm>> -> memref<1x16384x32xf32, #tpu.memory_space<hbm>>
        %dma_wait3A_992 = tpu.memref_squeeze %dma_wait3A_991 : memref<1x16384x32xf32, #tpu.memory_space<hbm>> -> memref<16384x32xf32, #tpu.memory_space<hbm>>
        %dma_wait3A_993 = arith.constant 0 : i32
        %dma_wait3A_994 = tpu.memref_slice %dma_wait3A_992[%add3A_982, %dma_wait3A_993] : memref<16384x32xf32, #tpu.memory_space<hbm>> -> memref<128x32xf32, #tpu.memory_space<hbm>>
        %dma_wait3A_995 = tpu.memref_slice %arg9[%dma_wait3A_984] : memref<5x!tpu.dma_semaphore, #tpu.memory_space<semaphore_mem>> -> memref<1x!tpu.dma_semaphore, #tpu.memory_space<semaphore_mem>>
        %dma_wait3A_996 = tpu.memref_squeeze %dma_wait3A_995 : memref<1x!tpu.dma_semaphore, #tpu.memory_space<semaphore_mem>> -> memref<!tpu.dma_semaphore, #tpu.memory_space<semaphore_mem>>
        %dma_wait3A_997 = arith.constant 0 : i32
        %dma_wait3A_998 = arith.constant 0 : i32
        %dma_wait3A_999 = tpu.memref_slice %arg4[%select_n3A_963, %dma_wait3A_997, %dma_wait3A_998] : memref<50x16384x32xf32, #tpu.memory_space<hbm>> -> memref<1x16384x32xf32, #tpu.memory_space<hbm>>
        %dma_wait3A_1000 = tpu.memref_squeeze %dma_wait3A_999 : memref<1x16384x32xf32, #tpu.memory_space<hbm>> -> memref<16384x32xf32, #tpu.memory_space<hbm>>
        %dma_wait3A_1001 = arith.constant 0 : i32
        %dma_wait3A_1002 = tpu.memref_slice %dma_wait3A_1000[%add3A_982, %dma_wait3A_1001] : memref<16384x32xf32, #tpu.memory_space<hbm>> -> memref<128x32xf32, #tpu.memory_space<hbm>>
        %dma_wait3A_1003 = arith.constant 0 : i32
        %dma_wait3A_1004 = arith.constant 0 : i32
        %dma_wait3A_1005 = tpu.memref_slice %arg6[%dma_wait3A_983, %dma_wait3A_1003, %dma_wait3A_1004] : memref<5x128x32xf32, #tpu.memory_space<vmem>> -> memref<1x128x32xf32, #tpu.memory_space<vmem>>
        %dma_wait3A_1006 = tpu.memref_squeeze %dma_wait3A_1005 : memref<1x128x32xf32, #tpu.memory_space<vmem>> -> memref<128x32xf32, #tpu.memory_space<vmem>>
        tpu.wait_dma2 semaphore(%dma_wait3A_996 : memref<!tpu.dma_semaphore, #tpu.memory_space<semaphore_mem>>) src(%dma_wait3A_1006 : memref<128x32xf32, #tpu.memory_space<vmem>>) dst(%dma_wait3A_1002 : memref<128x32xf32, #tpu.memory_space<hbm>>)
      } else {
      }
      %add3A_506 = arith.constant 3 : i32
      %add3A_507 = arith.addi %add3A_491, %add3A_506 : i32
      %lt3A_508 = arith.constant 200 : i32
      %lt3A_509 = arith.cmpi slt, %add3A_507, %lt3A_508 : i32
      %convert_element_type3A_510 = arith.extui %lt3A_509 : i1 to i32
      %cond3A_511 = arith.constant 0 : i32
      %cond3A_512 = arith.cmpi ne, %convert_element_type3A_510, %cond3A_511 : i32
      scf.if %cond3A_512 {
        %add3A_936 = arith.constant 3 : i32
        %add3A_937 = arith.addi %add3A_491, %add3A_936 : i32
        %jit3A_938 = arith.constant 4 : i32
        %div3A_939 = arith.divsi %add3A_937, %jit3A_938 : i32
        %sign3A_940 = arith.constant 0 : i32
        %sign3A_941 = arith.cmpi sgt, %add3A_937, %sign3A_940 : i32
        %sign3A_942 = arith.extui %sign3A_941 : i1 to i32
        %sign3A_943 = arith.constant 0 : i32
        %sign3A_944 = arith.cmpi slt, %add3A_937, %sign3A_943 : i32
        %sign3A_945 = arith.extui %sign3A_944 : i1 to i32
        %sign3A_946 = arith.subi %sign3A_942, %sign3A_945 : i32
        %sign3A_947 = arith.constant 0 : i32
        %sign3A_948 = arith.cmpi sgt, %jit3A_938, %sign3A_947 : i32
        %sign3A_949 = arith.extui %sign3A_948 : i1 to i32
        %sign3A_950 = arith.constant 0 : i32
        %sign3A_951 = arith.cmpi slt, %jit3A_938, %sign3A_950 : i32
        %sign3A_952 = arith.extui %sign3A_951 : i1 to i32
        %sign3A_953 = arith.subi %sign3A_949, %sign3A_952 : i32
        %ne3A_954 = arith.cmpi ne, %sign3A_946, %sign3A_953 : i32
        %rem3A_955 = arith.remsi %add3A_937, %jit3A_938 : i32
        %ne3A_956 = arith.constant 0 : i32
        %ne3A_957 = arith.cmpi ne, %rem3A_955, %ne3A_956 : i32
        %and3A_958 = arith.andi %ne3A_954, %ne3A_957 : i1
        %sub3A_959 = arith.constant 1 : i32
        %sub3A_960 = arith.subi %div3A_939, %sub3A_959 : i32
        %select_n3A_961 = arith.select %and3A_958, %sub3A_960, %div3A_939 : i32
        %jit3A_962 = arith.constant 4 : i32
        %eq3A_963 = arith.constant 0 : i32
        %eq3A_964 = arith.cmpi eq, %jit3A_962, %eq3A_963 : i32
        %jit3A_965 = arith.constant 1 : i32
        %select_n3A_966 = arith.select %eq3A_964, %jit3A_965, %jit3A_962 : i32
        %rem3A_967 = arith.remsi %add3A_937, %select_n3A_966 : i32
        %ne3A_968 = arith.constant 0 : i32
        %ne3A_969 = arith.cmpi ne, %rem3A_967, %ne3A_968 : i32
        %lt3A_970 = arith.constant 0 : i32
        %lt3A_971 = arith.cmpi slt, %rem3A_967, %lt3A_970 : i32
        %lt3A_972 = arith.constant 0 : i32
        %lt3A_973 = arith.cmpi slt, %select_n3A_966, %lt3A_972 : i32
        %ne3A_974 = arith.xori %lt3A_971, %lt3A_973 : i1
        %and3A_975 = arith.andi %ne3A_974, %ne3A_969 : i1
        %add3A_976 = arith.addi %rem3A_967, %select_n3A_966 : i32
        %select_n3A_977 = arith.select %and3A_975, %add3A_976, %rem3A_967 : i32
        %mul3A_978 = arith.constant 128 : i32
        %mul3A_979 = arith.muli %select_n3A_977, %mul3A_978 : i32
        %dma_start3A_980 = arith.constant 0 : i32
        %dma_start3A_981 = arith.constant 0 : i32
        %dma_start3A_982 = arith.constant 0 : i32
        %dma_start3A_983 = arith.constant 0 : i32
        %dma_start3A_984 = tpu.memref_slice %arg6[%dma_start3A_980, %dma_start3A_982, %dma_start3A_983] : memref<5x128x32xf32, #tpu.memory_space<vmem>> -> memref<1x128x32xf32, #tpu.memory_space<vmem>>
        %dma_start3A_985 = tpu.memref_squeeze %dma_start3A_984 : memref<1x128x32xf32, #tpu.memory_space<vmem>> -> memref<128x32xf32, #tpu.memory_space<vmem>>
        %dma_start3A_986 = arith.constant 0 : i32
        %dma_start3A_987 = tpu.memref_slice %arg5[%select_n3A_961, %dma_start3A_986] : memref<50x512xi32, #tpu.memory_space<vmem>> -> memref<1x512xi32, #tpu.memory_space<vmem>>
        %dma_start3A_988 = tpu.memref_squeeze %dma_start3A_987 : memref<1x512xi32, #tpu.memory_space<vmem>> -> memref<512xi32, #tpu.memory_space<vmem>>
        %dma_start3A_989 = tpu.memref_slice %dma_start3A_988[%mul3A_979] : memref<512xi32, #tpu.memory_space<vmem>> -> memref<128xi32, #tpu.memory_space<vmem>>
        %dma_start3A_990 = arith.constant 0 : i32
        %dma_start3A_991 = arith.constant 0 : i32
        %dma_start3A_992 = tpu.memref_slice %arg3[%dma_start3A_990, %dma_start3A_991] : memref<1000000x32xf32, #tpu.memory_space<hbm>> -> memref<1000000x32xf32, #tpu.memory_space<hbm>>
        %dma_start3A_993 = tpu.memref_slice %arg8[%dma_start3A_981] : memref<5x!tpu.dma_semaphore, #tpu.memory_space<semaphore_mem>> -> memref<1x!tpu.dma_semaphore, #tpu.memory_space<semaphore_mem>>
        %dma_start3A_994 = tpu.memref_squeeze %dma_start3A_993 : memref<1x!tpu.dma_semaphore, #tpu.memory_space<semaphore_mem>> -> memref<!tpu.dma_semaphore, #tpu.memory_space<semaphore_mem>>
        tpu.enqueue_indirect_dma source(%dma_start3A_992 : memref<1000000x32xf32, #tpu.memory_space<hbm>>) target(%dma_start3A_985 : memref<128x32xf32, #tpu.memory_space<vmem>>) offsets(%dma_start3A_989 : memref<128xi32, #tpu.memory_space<vmem>>) semaphore(%dma_start3A_994 : memref<!tpu.dma_semaphore, #tpu.memory_space<semaphore_mem>>)
      } else {
      }
      %jit3A_513 = arith.constant 4 : i32
      %div3A_514 = arith.divsi %add3A_491, %jit3A_513 : i32
      %sign3A_515 = arith.constant 0 : i32
      %sign3A_516 = arith.cmpi sgt, %add3A_491, %sign3A_515 : i32
      %sign3A_517 = arith.extui %sign3A_516 : i1 to i32
      %sign3A_518 = arith.constant 0 : i32
      %sign3A_519 = arith.cmpi slt, %add3A_491, %sign3A_518 : i32
      %sign3A_520 = arith.extui %sign3A_519 : i1 to i32
      %sign3A_521 = arith.subi %sign3A_517, %sign3A_520 : i32
      %sign3A_522 = arith.constant 0 : i32
      %sign3A_523 = arith.cmpi sgt, %jit3A_513, %sign3A_522 : i32
      %sign3A_524 = arith.extui %sign3A_523 : i1 to i32
      %sign3A_525 = arith.constant 0 : i32
      %sign3A_526 = arith.cmpi slt, %jit3A_513, %sign3A_525 : i32
      %sign3A_527 = arith.extui %sign3A_526 : i1 to i32
      %sign3A_528 = arith.subi %sign3A_524, %sign3A_527 : i32
      %ne3A_529 = arith.cmpi ne, %sign3A_521, %sign3A_528 : i32
      %rem3A_530 = arith.remsi %add3A_491, %jit3A_513 : i32
      %ne3A_531 = arith.constant 0 : i32
      %ne3A_532 = arith.cmpi ne, %rem3A_530, %ne3A_531 : i32
      %and3A_533 = arith.andi %ne3A_529, %ne3A_532 : i1
      %sub3A_534 = arith.constant 1 : i32
      %sub3A_535 = arith.subi %div3A_514, %sub3A_534 : i32
      %select_n3A_536 = arith.select %and3A_533, %sub3A_535, %div3A_514 : i32
      %jit3A_537 = arith.constant 4 : i32
      %eq3A_538 = arith.constant 0 : i32
      %eq3A_539 = arith.cmpi eq, %jit3A_537, %eq3A_538 : i32
      %jit3A_540 = arith.constant 1 : i32
      %select_n3A_541 = arith.select %eq3A_539, %jit3A_540, %jit3A_537 : i32
      %rem3A_542 = arith.remsi %add3A_491, %select_n3A_541 : i32
      %ne3A_543 = arith.constant 0 : i32
      %ne3A_544 = arith.cmpi ne, %rem3A_542, %ne3A_543 : i32
      %lt3A_545 = arith.constant 0 : i32
      %lt3A_546 = arith.cmpi slt, %rem3A_542, %lt3A_545 : i32
      %lt3A_547 = arith.constant 0 : i32
      %lt3A_548 = arith.cmpi slt, %select_n3A_541, %lt3A_547 : i32
      %ne3A_549 = arith.xori %lt3A_546, %lt3A_548 : i1
      %and3A_550 = arith.andi %ne3A_549, %ne3A_544 : i1
      %add3A_551 = arith.addi %rem3A_542, %select_n3A_541 : i32
      %select_n3A_552 = arith.select %and3A_550, %add3A_551, %rem3A_542 : i32
      %mul3A_553 = arith.constant 128 : i32
      %mul3A_554 = arith.muli %select_n3A_552, %mul3A_553 : i32
      %dma_wait3A_555 = arith.constant 2 : i32
      %dma_wait3A_556 = arith.constant 2 : i32
      %dma_wait3A_557 = arith.constant 0 : i32
      %dma_wait3A_558 = arith.constant 0 : i32
      %dma_wait3A_559 = tpu.memref_slice %arg6[%dma_wait3A_555, %dma_wait3A_557, %dma_wait3A_558] : memref<5x128x32xf32, #tpu.memory_space<vmem>> -> memref<1x128x32xf32, #tpu.memory_space<vmem>>
      %dma_wait3A_560 = tpu.memref_squeeze %dma_wait3A_559 : memref<1x128x32xf32, #tpu.memory_space<vmem>> -> memref<128x32xf32, #tpu.memory_space<vmem>>
      %dma_wait3A_561 = arith.constant 0 : i32
      %dma_wait3A_562 = tpu.memref_slice %arg5[%select_n3A_536, %dma_wait3A_561] : memref<50x512xi32, #tpu.memory_space<vmem>> -> memref<1x512xi32, #tpu.memory_space<vmem>>
      %dma_wait3A_563 = tpu.memref_squeeze %dma_wait3A_562 : memref<1x512xi32, #tpu.memory_space<vmem>> -> memref<512xi32, #tpu.memory_space<vmem>>
      %dma_wait3A_564 = tpu.memref_slice %dma_wait3A_563[%mul3A_554] : memref<512xi32, #tpu.memory_space<vmem>> -> memref<128xi32, #tpu.memory_space<vmem>>
      %dma_wait3A_565 = arith.constant 0 : i32
      %dma_wait3A_566 = arith.constant 0 : i32
      %dma_wait3A_567 = tpu.memref_slice %arg3[%dma_wait3A_565, %dma_wait3A_566] : memref<1000000x32xf32, #tpu.memory_space<hbm>> -> memref<1000000x32xf32, #tpu.memory_space<hbm>>
      %dma_wait3A_568 = tpu.memref_slice %arg8[%dma_wait3A_556] : memref<5x!tpu.dma_semaphore, #tpu.memory_space<semaphore_mem>> -> memref<1x!tpu.dma_semaphore, #tpu.memory_space<semaphore_mem>>
      %dma_wait3A_569 = tpu.memref_squeeze %dma_wait3A_568 : memref<1x!tpu.dma_semaphore, #tpu.memory_space<semaphore_mem>> -> memref<!tpu.dma_semaphore, #tpu.memory_space<semaphore_mem>>
      tpu.wait_indirect_dma semaphore(%dma_wait3A_569 : memref<!tpu.dma_semaphore, #tpu.memory_space<semaphore_mem>>) src(%dma_wait3A_567 : memref<1000000x32xf32, #tpu.memory_space<hbm>>) dst(%dma_wait3A_560 : memref<128x32xf32, #tpu.memory_space<vmem>>)
      %jit3A_570 = arith.constant 4 : i32
      %div3A_571 = arith.divsi %add3A_491, %jit3A_570 : i32
      %sign3A_572 = arith.constant 0 : i32
      %sign3A_573 = arith.cmpi sgt, %add3A_491, %sign3A_572 : i32
      %sign3A_574 = arith.extui %sign3A_573 : i1 to i32
      %sign3A_575 = arith.constant 0 : i32
      %sign3A_576 = arith.cmpi slt, %add3A_491, %sign3A_575 : i32
      %sign3A_577 = arith.extui %sign3A_576 : i1 to i32
      %sign3A_578 = arith.subi %sign3A_574, %sign3A_577 : i32
      %sign3A_579 = arith.constant 0 : i32
      %sign3A_580 = arith.cmpi sgt, %jit3A_570, %sign3A_579 : i32
      %sign3A_581 = arith.extui %sign3A_580 : i1 to i32
      %sign3A_582 = arith.constant 0 : i32
      %sign3A_583 = arith.cmpi slt, %jit3A_570, %sign3A_582 : i32
      %sign3A_584 = arith.extui %sign3A_583 : i1 to i32
      %sign3A_585 = arith.subi %sign3A_581, %sign3A_584 : i32
      %ne3A_586 = arith.cmpi ne, %sign3A_578, %sign3A_585 : i32
      %rem3A_587 = arith.remsi %add3A_491, %jit3A_570 : i32
      %ne3A_588 = arith.constant 0 : i32
      %ne3A_589 = arith.cmpi ne, %rem3A_587, %ne3A_588 : i32
      %and3A_590 = arith.andi %ne3A_586, %ne3A_589 : i1
      %sub3A_591 = arith.constant 1 : i32
      %sub3A_592 = arith.subi %div3A_571, %sub3A_591 : i32
      %select_n3A_593 = arith.select %and3A_590, %sub3A_592, %div3A_571 : i32
      %jit3A_594 = arith.constant 4 : i32
      %eq3A_595 = arith.constant 0 : i32
      %eq3A_596 = arith.cmpi eq, %jit3A_594, %eq3A_595 : i32
      %jit3A_597 = arith.constant 1 : i32
      %select_n3A_598 = arith.select %eq3A_596, %jit3A_597, %jit3A_594 : i32
      %rem3A_599 = arith.remsi %add3A_491, %select_n3A_598 : i32
      %ne3A_600 = arith.constant 0 : i32
      %ne3A_601 = arith.cmpi ne, %rem3A_599, %ne3A_600 : i32
      %lt3A_602 = arith.constant 0 : i32
      %lt3A_603 = arith.cmpi slt, %rem3A_599, %lt3A_602 : i32
      %lt3A_604 = arith.constant 0 : i32
      %lt3A_605 = arith.cmpi slt, %select_n3A_598, %lt3A_604 : i32
      %ne3A_606 = arith.xori %lt3A_603, %lt3A_605 : i1
      %and3A_607 = arith.andi %ne3A_606, %ne3A_601 : i1
      %add3A_608 = arith.addi %rem3A_599, %select_n3A_598 : i32
      %select_n3A_609 = arith.select %and3A_607, %add3A_608, %rem3A_599 : i32
      %mul3A_610 = arith.constant 128 : i32
      %mul3A_611 = arith.muli %select_n3A_609, %mul3A_610 : i32
      %add3A_612 = arith.addi %mul3A_2, %mul3A_611 : i32
      %dma_start3A_613 = arith.constant 2 : i32
      %dma_start3A_614 = arith.constant 2 : i32
      %dma_start3A_615 = arith.constant 0 : i32
      %dma_start3A_616 = arith.constant 0 : i32
      %dma_start3A_617 = tpu.memref_slice %arg6[%dma_start3A_613, %dma_start3A_615, %dma_start3A_616] : memref<5x128x32xf32, #tpu.memory_space<vmem>> -> memref<1x128x32xf32, #tpu.memory_space<vmem>>
      %dma_start3A_618 = tpu.memref_squeeze %dma_start3A_617 : memref<1x128x32xf32, #tpu.memory_space<vmem>> -> memref<128x32xf32, #tpu.memory_space<vmem>>
      %dma_start3A_619 = arith.constant 0 : i32
      %dma_start3A_620 = arith.constant 0 : i32
      %dma_start3A_621 = tpu.memref_slice %arg4[%select_n3A_593, %dma_start3A_619, %dma_start3A_620] : memref<50x16384x32xf32, #tpu.memory_space<hbm>> -> memref<1x16384x32xf32, #tpu.memory_space<hbm>>
      %dma_start3A_622 = tpu.memref_squeeze %dma_start3A_621 : memref<1x16384x32xf32, #tpu.memory_space<hbm>> -> memref<16384x32xf32, #tpu.memory_space<hbm>>
      %dma_start3A_623 = arith.constant 0 : i32
      %dma_start3A_624 = tpu.memref_slice %dma_start3A_622[%add3A_612, %dma_start3A_623] : memref<16384x32xf32, #tpu.memory_space<hbm>> -> memref<128x32xf32, #tpu.memory_space<hbm>>
      %dma_start3A_625 = tpu.memref_slice %arg9[%dma_start3A_614] : memref<5x!tpu.dma_semaphore, #tpu.memory_space<semaphore_mem>> -> memref<1x!tpu.dma_semaphore, #tpu.memory_space<semaphore_mem>>
      %dma_start3A_626 = tpu.memref_squeeze %dma_start3A_625 : memref<1x!tpu.dma_semaphore, #tpu.memory_space<semaphore_mem>> -> memref<!tpu.dma_semaphore, #tpu.memory_space<semaphore_mem>>
      %dma_start3A_627 = arith.constant 0 : i32
      %dma_start3A_628 = arith.constant 0 : i32
      %dma_start3A_629 = tpu.memref_slice %arg4[%select_n3A_593, %dma_start3A_627, %dma_start3A_628] : memref<50x16384x32xf32, #tpu.memory_space<hbm>> -> memref<1x16384x32xf32, #tpu.memory_space<hbm>>
      %dma_start3A_630 = tpu.memref_squeeze %dma_start3A_629 : memref<1x16384x32xf32, #tpu.memory_space<hbm>> -> memref<16384x32xf32, #tpu.memory_space<hbm>>
      %dma_start3A_631 = arith.constant 0 : i32
      %dma_start3A_632 = tpu.memref_slice %dma_start3A_630[%add3A_612, %dma_start3A_631] : memref<16384x32xf32, #tpu.memory_space<hbm>> -> memref<128x32xf32, #tpu.memory_space<hbm>>
      %dma_start3A_633 = arith.constant 0 : i32
      %dma_start3A_634 = arith.constant 0 : i32
      %dma_start3A_635 = tpu.memref_slice %arg6[%dma_start3A_613, %dma_start3A_633, %dma_start3A_634] : memref<5x128x32xf32, #tpu.memory_space<vmem>> -> memref<1x128x32xf32, #tpu.memory_space<vmem>>
      %dma_start3A_636 = tpu.memref_squeeze %dma_start3A_635 : memref<1x128x32xf32, #tpu.memory_space<vmem>> -> memref<128x32xf32, #tpu.memory_space<vmem>>
      tpu.enqueue_dma source(%dma_start3A_636 : memref<128x32xf32, #tpu.memory_space<vmem>>) target(%dma_start3A_632 : memref<128x32xf32, #tpu.memory_space<hbm>>) target_semaphore(%dma_start3A_626 : memref<!tpu.dma_semaphore, #tpu.memory_space<semaphore_mem>>)
      %mul3A_637 = arith.constant 5 : i32
      %mul3A_638 = arith.muli %scan3A_201, %mul3A_637 : i32
      %add3A_639 = arith.constant 3 : i32
      %add3A_640 = arith.addi %mul3A_638, %add3A_639 : i32
      %add3A_641 = arith.constant 3 : i32
      %add3A_642 = arith.addi %add3A_640, %add3A_641 : i32
      %lt3A_643 = arith.constant 200 : i32
      %lt3A_644 = arith.cmpi slt, %add3A_642, %lt3A_643 : i32
      %add3A_645 = arith.constant 3 : i32
      %add3A_646 = arith.addi %add3A_640, %add3A_645 : i32
      %sub3A_647 = arith.constant 5 : i32
      %sub3A_648 = arith.subi %add3A_646, %sub3A_647 : i32
      %ge3A_649 = arith.constant 0 : i32
      %ge3A_650 = arith.cmpi sge, %sub3A_648, %ge3A_649 : i32
      %and3A_651 = arith.andi %lt3A_644, %ge3A_650 : i1
      %convert_element_type3A_652 = arith.extui %and3A_651 : i1 to i32
      %cond3A_653 = arith.constant 0 : i32
      %cond3A_654 = arith.cmpi ne, %convert_element_type3A_652, %cond3A_653 : i32
      scf.if %cond3A_654 {
        %add3A_936 = arith.constant 3 : i32
        %add3A_937 = arith.addi %add3A_640, %add3A_936 : i32
        %sub3A_938 = arith.constant 5 : i32
        %sub3A_939 = arith.subi %add3A_937, %sub3A_938 : i32
        %jit3A_940 = arith.constant 4 : i32
        %div3A_941 = arith.divsi %sub3A_939, %jit3A_940 : i32
        %sign3A_942 = arith.constant 0 : i32
        %sign3A_943 = arith.cmpi sgt, %sub3A_939, %sign3A_942 : i32
        %sign3A_944 = arith.extui %sign3A_943 : i1 to i32
        %sign3A_945 = arith.constant 0 : i32
        %sign3A_946 = arith.cmpi slt, %sub3A_939, %sign3A_945 : i32
        %sign3A_947 = arith.extui %sign3A_946 : i1 to i32
        %sign3A_948 = arith.subi %sign3A_944, %sign3A_947 : i32
        %sign3A_949 = arith.constant 0 : i32
        %sign3A_950 = arith.cmpi sgt, %jit3A_940, %sign3A_949 : i32
        %sign3A_951 = arith.extui %sign3A_950 : i1 to i32
        %sign3A_952 = arith.constant 0 : i32
        %sign3A_953 = arith.cmpi slt, %jit3A_940, %sign3A_952 : i32
        %sign3A_954 = arith.extui %sign3A_953 : i1 to i32
        %sign3A_955 = arith.subi %sign3A_951, %sign3A_954 : i32
        %ne3A_956 = arith.cmpi ne, %sign3A_948, %sign3A_955 : i32
        %rem3A_957 = arith.remsi %sub3A_939, %jit3A_940 : i32
        %ne3A_958 = arith.constant 0 : i32
        %ne3A_959 = arith.cmpi ne, %rem3A_957, %ne3A_958 : i32
        %and3A_960 = arith.andi %ne3A_956, %ne3A_959 : i1
        %sub3A_961 = arith.constant 1 : i32
        %sub3A_962 = arith.subi %div3A_941, %sub3A_961 : i32
        %select_n3A_963 = arith.select %and3A_960, %sub3A_962, %div3A_941 : i32
        %jit3A_964 = arith.constant 4 : i32
        %eq3A_965 = arith.constant 0 : i32
        %eq3A_966 = arith.cmpi eq, %jit3A_964, %eq3A_965 : i32
        %jit3A_967 = arith.constant 1 : i32
        %select_n3A_968 = arith.select %eq3A_966, %jit3A_967, %jit3A_964 : i32
        %rem3A_969 = arith.remsi %sub3A_939, %select_n3A_968 : i32
        %ne3A_970 = arith.constant 0 : i32
        %ne3A_971 = arith.cmpi ne, %rem3A_969, %ne3A_970 : i32
        %lt3A_972 = arith.constant 0 : i32
        %lt3A_973 = arith.cmpi slt, %rem3A_969, %lt3A_972 : i32
        %lt3A_974 = arith.constant 0 : i32
        %lt3A_975 = arith.cmpi slt, %select_n3A_968, %lt3A_974 : i32
        %ne3A_976 = arith.xori %lt3A_973, %lt3A_975 : i1
        %and3A_977 = arith.andi %ne3A_976, %ne3A_971 : i1
        %add3A_978 = arith.addi %rem3A_969, %select_n3A_968 : i32
        %select_n3A_979 = arith.select %and3A_977, %add3A_978, %rem3A_969 : i32
        %mul3A_980 = arith.constant 128 : i32
        %mul3A_981 = arith.muli %select_n3A_979, %mul3A_980 : i32
        %add3A_982 = arith.addi %mul3A_2, %mul3A_981 : i32
        %dma_wait3A_983 = arith.constant 1 : i32
        %dma_wait3A_984 = arith.constant 1 : i32
        %dma_wait3A_985 = arith.constant 0 : i32
        %dma_wait3A_986 = arith.constant 0 : i32
        %dma_wait3A_987 = tpu.memref_slice %arg6[%dma_wait3A_983, %dma_wait3A_985, %dma_wait3A_986] : memref<5x128x32xf32, #tpu.memory_space<vmem>> -> memref<1x128x32xf32, #tpu.memory_space<vmem>>
        %dma_wait3A_988 = tpu.memref_squeeze %dma_wait3A_987 : memref<1x128x32xf32, #tpu.memory_space<vmem>> -> memref<128x32xf32, #tpu.memory_space<vmem>>
        %dma_wait3A_989 = arith.constant 0 : i32
        %dma_wait3A_990 = arith.constant 0 : i32
        %dma_wait3A_991 = tpu.memref_slice %arg4[%select_n3A_963, %dma_wait3A_989, %dma_wait3A_990] : memref<50x16384x32xf32, #tpu.memory_space<hbm>> -> memref<1x16384x32xf32, #tpu.memory_space<hbm>>
        %dma_wait3A_992 = tpu.memref_squeeze %dma_wait3A_991 : memref<1x16384x32xf32, #tpu.memory_space<hbm>> -> memref<16384x32xf32, #tpu.memory_space<hbm>>
        %dma_wait3A_993 = arith.constant 0 : i32
        %dma_wait3A_994 = tpu.memref_slice %dma_wait3A_992[%add3A_982, %dma_wait3A_993] : memref<16384x32xf32, #tpu.memory_space<hbm>> -> memref<128x32xf32, #tpu.memory_space<hbm>>
        %dma_wait3A_995 = tpu.memref_slice %arg9[%dma_wait3A_984] : memref<5x!tpu.dma_semaphore, #tpu.memory_space<semaphore_mem>> -> memref<1x!tpu.dma_semaphore, #tpu.memory_space<semaphore_mem>>
        %dma_wait3A_996 = tpu.memref_squeeze %dma_wait3A_995 : memref<1x!tpu.dma_semaphore, #tpu.memory_space<semaphore_mem>> -> memref<!tpu.dma_semaphore, #tpu.memory_space<semaphore_mem>>
        %dma_wait3A_997 = arith.constant 0 : i32
        %dma_wait3A_998 = arith.constant 0 : i32
        %dma_wait3A_999 = tpu.memref_slice %arg4[%select_n3A_963, %dma_wait3A_997, %dma_wait3A_998] : memref<50x16384x32xf32, #tpu.memory_space<hbm>> -> memref<1x16384x32xf32, #tpu.memory_space<hbm>>
        %dma_wait3A_1000 = tpu.memref_squeeze %dma_wait3A_999 : memref<1x16384x32xf32, #tpu.memory_space<hbm>> -> memref<16384x32xf32, #tpu.memory_space<hbm>>
        %dma_wait3A_1001 = arith.constant 0 : i32
        %dma_wait3A_1002 = tpu.memref_slice %dma_wait3A_1000[%add3A_982, %dma_wait3A_1001] : memref<16384x32xf32, #tpu.memory_space<hbm>> -> memref<128x32xf32, #tpu.memory_space<hbm>>
        %dma_wait3A_1003 = arith.constant 0 : i32
        %dma_wait3A_1004 = arith.constant 0 : i32
        %dma_wait3A_1005 = tpu.memref_slice %arg6[%dma_wait3A_983, %dma_wait3A_1003, %dma_wait3A_1004] : memref<5x128x32xf32, #tpu.memory_space<vmem>> -> memref<1x128x32xf32, #tpu.memory_space<vmem>>
        %dma_wait3A_1006 = tpu.memref_squeeze %dma_wait3A_1005 : memref<1x128x32xf32, #tpu.memory_space<vmem>> -> memref<128x32xf32, #tpu.memory_space<vmem>>
        tpu.wait_dma2 semaphore(%dma_wait3A_996 : memref<!tpu.dma_semaphore, #tpu.memory_space<semaphore_mem>>) src(%dma_wait3A_1006 : memref<128x32xf32, #tpu.memory_space<vmem>>) dst(%dma_wait3A_1002 : memref<128x32xf32, #tpu.memory_space<hbm>>)
      } else {
      }
      %add3A_655 = arith.constant 3 : i32
      %add3A_656 = arith.addi %add3A_640, %add3A_655 : i32
      %lt3A_657 = arith.constant 200 : i32
      %lt3A_658 = arith.cmpi slt, %add3A_656, %lt3A_657 : i32
      %convert_element_type3A_659 = arith.extui %lt3A_658 : i1 to i32
      %cond3A_660 = arith.constant 0 : i32
      %cond3A_661 = arith.cmpi ne, %convert_element_type3A_659, %cond3A_660 : i32
      scf.if %cond3A_661 {
        %add3A_936 = arith.constant 3 : i32
        %add3A_937 = arith.addi %add3A_640, %add3A_936 : i32
        %jit3A_938 = arith.constant 4 : i32
        %div3A_939 = arith.divsi %add3A_937, %jit3A_938 : i32
        %sign3A_940 = arith.constant 0 : i32
        %sign3A_941 = arith.cmpi sgt, %add3A_937, %sign3A_940 : i32
        %sign3A_942 = arith.extui %sign3A_941 : i1 to i32
        %sign3A_943 = arith.constant 0 : i32
        %sign3A_944 = arith.cmpi slt, %add3A_937, %sign3A_943 : i32
        %sign3A_945 = arith.extui %sign3A_944 : i1 to i32
        %sign3A_946 = arith.subi %sign3A_942, %sign3A_945 : i32
        %sign3A_947 = arith.constant 0 : i32
        %sign3A_948 = arith.cmpi sgt, %jit3A_938, %sign3A_947 : i32
        %sign3A_949 = arith.extui %sign3A_948 : i1 to i32
        %sign3A_950 = arith.constant 0 : i32
        %sign3A_951 = arith.cmpi slt, %jit3A_938, %sign3A_950 : i32
        %sign3A_952 = arith.extui %sign3A_951 : i1 to i32
        %sign3A_953 = arith.subi %sign3A_949, %sign3A_952 : i32
        %ne3A_954 = arith.cmpi ne, %sign3A_946, %sign3A_953 : i32
        %rem3A_955 = arith.remsi %add3A_937, %jit3A_938 : i32
        %ne3A_956 = arith.constant 0 : i32
        %ne3A_957 = arith.cmpi ne, %rem3A_955, %ne3A_956 : i32
        %and3A_958 = arith.andi %ne3A_954, %ne3A_957 : i1
        %sub3A_959 = arith.constant 1 : i32
        %sub3A_960 = arith.subi %div3A_939, %sub3A_959 : i32
        %select_n3A_961 = arith.select %and3A_958, %sub3A_960, %div3A_939 : i32
        %jit3A_962 = arith.constant 4 : i32
        %eq3A_963 = arith.constant 0 : i32
        %eq3A_964 = arith.cmpi eq, %jit3A_962, %eq3A_963 : i32
        %jit3A_965 = arith.constant 1 : i32
        %select_n3A_966 = arith.select %eq3A_964, %jit3A_965, %jit3A_962 : i32
        %rem3A_967 = arith.remsi %add3A_937, %select_n3A_966 : i32
        %ne3A_968 = arith.constant 0 : i32
        %ne3A_969 = arith.cmpi ne, %rem3A_967, %ne3A_968 : i32
        %lt3A_970 = arith.constant 0 : i32
        %lt3A_971 = arith.cmpi slt, %rem3A_967, %lt3A_970 : i32
        %lt3A_972 = arith.constant 0 : i32
        %lt3A_973 = arith.cmpi slt, %select_n3A_966, %lt3A_972 : i32
        %ne3A_974 = arith.xori %lt3A_971, %lt3A_973 : i1
        %and3A_975 = arith.andi %ne3A_974, %ne3A_969 : i1
        %add3A_976 = arith.addi %rem3A_967, %select_n3A_966 : i32
        %select_n3A_977 = arith.select %and3A_975, %add3A_976, %rem3A_967 : i32
        %mul3A_978 = arith.constant 128 : i32
        %mul3A_979 = arith.muli %select_n3A_977, %mul3A_978 : i32
        %dma_start3A_980 = arith.constant 1 : i32
        %dma_start3A_981 = arith.constant 1 : i32
        %dma_start3A_982 = arith.constant 0 : i32
        %dma_start3A_983 = arith.constant 0 : i32
        %dma_start3A_984 = tpu.memref_slice %arg6[%dma_start3A_980, %dma_start3A_982, %dma_start3A_983] : memref<5x128x32xf32, #tpu.memory_space<vmem>> -> memref<1x128x32xf32, #tpu.memory_space<vmem>>
        %dma_start3A_985 = tpu.memref_squeeze %dma_start3A_984 : memref<1x128x32xf32, #tpu.memory_space<vmem>> -> memref<128x32xf32, #tpu.memory_space<vmem>>
        %dma_start3A_986 = arith.constant 0 : i32
        %dma_start3A_987 = tpu.memref_slice %arg5[%select_n3A_961, %dma_start3A_986] : memref<50x512xi32, #tpu.memory_space<vmem>> -> memref<1x512xi32, #tpu.memory_space<vmem>>
        %dma_start3A_988 = tpu.memref_squeeze %dma_start3A_987 : memref<1x512xi32, #tpu.memory_space<vmem>> -> memref<512xi32, #tpu.memory_space<vmem>>
        %dma_start3A_989 = tpu.memref_slice %dma_start3A_988[%mul3A_979] : memref<512xi32, #tpu.memory_space<vmem>> -> memref<128xi32, #tpu.memory_space<vmem>>
        %dma_start3A_990 = arith.constant 0 : i32
        %dma_start3A_991 = arith.constant 0 : i32
        %dma_start3A_992 = tpu.memref_slice %arg3[%dma_start3A_990, %dma_start3A_991] : memref<1000000x32xf32, #tpu.memory_space<hbm>> -> memref<1000000x32xf32, #tpu.memory_space<hbm>>
        %dma_start3A_993 = tpu.memref_slice %arg8[%dma_start3A_981] : memref<5x!tpu.dma_semaphore, #tpu.memory_space<semaphore_mem>> -> memref<1x!tpu.dma_semaphore, #tpu.memory_space<semaphore_mem>>
        %dma_start3A_994 = tpu.memref_squeeze %dma_start3A_993 : memref<1x!tpu.dma_semaphore, #tpu.memory_space<semaphore_mem>> -> memref<!tpu.dma_semaphore, #tpu.memory_space<semaphore_mem>>
        tpu.enqueue_indirect_dma source(%dma_start3A_992 : memref<1000000x32xf32, #tpu.memory_space<hbm>>) target(%dma_start3A_985 : memref<128x32xf32, #tpu.memory_space<vmem>>) offsets(%dma_start3A_989 : memref<128xi32, #tpu.memory_space<vmem>>) semaphore(%dma_start3A_994 : memref<!tpu.dma_semaphore, #tpu.memory_space<semaphore_mem>>)
      } else {
      }
      %jit3A_662 = arith.constant 4 : i32
      %div3A_663 = arith.divsi %add3A_640, %jit3A_662 : i32
      %sign3A_664 = arith.constant 0 : i32
      %sign3A_665 = arith.cmpi sgt, %add3A_640, %sign3A_664 : i32
      %sign3A_666 = arith.extui %sign3A_665 : i1 to i32
      %sign3A_667 = arith.constant 0 : i32
      %sign3A_668 = arith.cmpi slt, %add3A_640, %sign3A_667 : i32
      %sign3A_669 = arith.extui %sign3A_668 : i1 to i32
      %sign3A_670 = arith.subi %sign3A_666, %sign3A_669 : i32
      %sign3A_671 = arith.constant 0 : i32
      %sign3A_672 = arith.cmpi sgt, %jit3A_662, %sign3A_671 : i32
      %sign3A_673 = arith.extui %sign3A_672 : i1 to i32
      %sign3A_674 = arith.constant 0 : i32
      %sign3A_675 = arith.cmpi slt, %jit3A_662, %sign3A_674 : i32
      %sign3A_676 = arith.extui %sign3A_675 : i1 to i32
      %sign3A_677 = arith.subi %sign3A_673, %sign3A_676 : i32
      %ne3A_678 = arith.cmpi ne, %sign3A_670, %sign3A_677 : i32
      %rem3A_679 = arith.remsi %add3A_640, %jit3A_662 : i32
      %ne3A_680 = arith.constant 0 : i32
      %ne3A_681 = arith.cmpi ne, %rem3A_679, %ne3A_680 : i32
      %and3A_682 = arith.andi %ne3A_678, %ne3A_681 : i1
      %sub3A_683 = arith.constant 1 : i32
      %sub3A_684 = arith.subi %div3A_663, %sub3A_683 : i32
      %select_n3A_685 = arith.select %and3A_682, %sub3A_684, %div3A_663 : i32
      %jit3A_686 = arith.constant 4 : i32
      %eq3A_687 = arith.constant 0 : i32
      %eq3A_688 = arith.cmpi eq, %jit3A_686, %eq3A_687 : i32
      %jit3A_689 = arith.constant 1 : i32
      %select_n3A_690 = arith.select %eq3A_688, %jit3A_689, %jit3A_686 : i32
      %rem3A_691 = arith.remsi %add3A_640, %select_n3A_690 : i32
      %ne3A_692 = arith.constant 0 : i32
      %ne3A_693 = arith.cmpi ne, %rem3A_691, %ne3A_692 : i32
      %lt3A_694 = arith.constant 0 : i32
      %lt3A_695 = arith.cmpi slt, %rem3A_691, %lt3A_694 : i32
      %lt3A_696 = arith.constant 0 : i32
      %lt3A_697 = arith.cmpi slt, %select_n3A_690, %lt3A_696 : i32
      %ne3A_698 = arith.xori %lt3A_695, %lt3A_697 : i1
      %and3A_699 = arith.andi %ne3A_698, %ne3A_693 : i1
      %add3A_700 = arith.addi %rem3A_691, %select_n3A_690 : i32
      %select_n3A_701 = arith.select %and3A_699, %add3A_700, %rem3A_691 : i32
      %mul3A_702 = arith.constant 128 : i32
      %mul3A_703 = arith.muli %select_n3A_701, %mul3A_702 : i32
      %dma_wait3A_704 = arith.constant 3 : i32
      %dma_wait3A_705 = arith.constant 3 : i32
      %dma_wait3A_706 = arith.constant 0 : i32
      %dma_wait3A_707 = arith.constant 0 : i32
      %dma_wait3A_708 = tpu.memref_slice %arg6[%dma_wait3A_704, %dma_wait3A_706, %dma_wait3A_707] : memref<5x128x32xf32, #tpu.memory_space<vmem>> -> memref<1x128x32xf32, #tpu.memory_space<vmem>>
      %dma_wait3A_709 = tpu.memref_squeeze %dma_wait3A_708 : memref<1x128x32xf32, #tpu.memory_space<vmem>> -> memref<128x32xf32, #tpu.memory_space<vmem>>
      %dma_wait3A_710 = arith.constant 0 : i32
      %dma_wait3A_711 = tpu.memref_slice %arg5[%select_n3A_685, %dma_wait3A_710] : memref<50x512xi32, #tpu.memory_space<vmem>> -> memref<1x512xi32, #tpu.memory_space<vmem>>
      %dma_wait3A_712 = tpu.memref_squeeze %dma_wait3A_711 : memref<1x512xi32, #tpu.memory_space<vmem>> -> memref<512xi32, #tpu.memory_space<vmem>>
      %dma_wait3A_713 = tpu.memref_slice %dma_wait3A_712[%mul3A_703] : memref<512xi32, #tpu.memory_space<vmem>> -> memref<128xi32, #tpu.memory_space<vmem>>
      %dma_wait3A_714 = arith.constant 0 : i32
      %dma_wait3A_715 = arith.constant 0 : i32
      %dma_wait3A_716 = tpu.memref_slice %arg3[%dma_wait3A_714, %dma_wait3A_715] : memref<1000000x32xf32, #tpu.memory_space<hbm>> -> memref<1000000x32xf32, #tpu.memory_space<hbm>>
      %dma_wait3A_717 = tpu.memref_slice %arg8[%dma_wait3A_705] : memref<5x!tpu.dma_semaphore, #tpu.memory_space<semaphore_mem>> -> memref<1x!tpu.dma_semaphore, #tpu.memory_space<semaphore_mem>>
      %dma_wait3A_718 = tpu.memref_squeeze %dma_wait3A_717 : memref<1x!tpu.dma_semaphore, #tpu.memory_space<semaphore_mem>> -> memref<!tpu.dma_semaphore, #tpu.memory_space<semaphore_mem>>
      tpu.wait_indirect_dma semaphore(%dma_wait3A_718 : memref<!tpu.dma_semaphore, #tpu.memory_space<semaphore_mem>>) src(%dma_wait3A_716 : memref<1000000x32xf32, #tpu.memory_space<hbm>>) dst(%dma_wait3A_709 : memref<128x32xf32, #tpu.memory_space<vmem>>)
      %jit3A_719 = arith.constant 4 : i32
      %div3A_720 = arith.divsi %add3A_640, %jit3A_719 : i32
      %sign3A_721 = arith.constant 0 : i32
      %sign3A_722 = arith.cmpi sgt, %add3A_640, %sign3A_721 : i32
      %sign3A_723 = arith.extui %sign3A_722 : i1 to i32
      %sign3A_724 = arith.constant 0 : i32
      %sign3A_725 = arith.cmpi slt, %add3A_640, %sign3A_724 : i32
      %sign3A_726 = arith.extui %sign3A_725 : i1 to i32
      %sign3A_727 = arith.subi %sign3A_723, %sign3A_726 : i32
      %sign3A_728 = arith.constant 0 : i32
      %sign3A_729 = arith.cmpi sgt, %jit3A_719, %sign3A_728 : i32
      %sign3A_730 = arith.extui %sign3A_729 : i1 to i32
      %sign3A_731 = arith.constant 0 : i32
      %sign3A_732 = arith.cmpi slt, %jit3A_719, %sign3A_731 : i32
      %sign3A_733 = arith.extui %sign3A_732 : i1 to i32
      %sign3A_734 = arith.subi %sign3A_730, %sign3A_733 : i32
      %ne3A_735 = arith.cmpi ne, %sign3A_727, %sign3A_734 : i32
      %rem3A_736 = arith.remsi %add3A_640, %jit3A_719 : i32
      %ne3A_737 = arith.constant 0 : i32
      %ne3A_738 = arith.cmpi ne, %rem3A_736, %ne3A_737 : i32
      %and3A_739 = arith.andi %ne3A_735, %ne3A_738 : i1
      %sub3A_740 = arith.constant 1 : i32
      %sub3A_741 = arith.subi %div3A_720, %sub3A_740 : i32
      %select_n3A_742 = arith.select %and3A_739, %sub3A_741, %div3A_720 : i32
      %jit3A_743 = arith.constant 4 : i32
      %eq3A_744 = arith.constant 0 : i32
      %eq3A_745 = arith.cmpi eq, %jit3A_743, %eq3A_744 : i32
      %jit3A_746 = arith.constant 1 : i32
      %select_n3A_747 = arith.select %eq3A_745, %jit3A_746, %jit3A_743 : i32
      %rem3A_748 = arith.remsi %add3A_640, %select_n3A_747 : i32
      %ne3A_749 = arith.constant 0 : i32
      %ne3A_750 = arith.cmpi ne, %rem3A_748, %ne3A_749 : i32
      %lt3A_751 = arith.constant 0 : i32
      %lt3A_752 = arith.cmpi slt, %rem3A_748, %lt3A_751 : i32
      %lt3A_753 = arith.constant 0 : i32
      %lt3A_754 = arith.cmpi slt, %select_n3A_747, %lt3A_753 : i32
      %ne3A_755 = arith.xori %lt3A_752, %lt3A_754 : i1
      %and3A_756 = arith.andi %ne3A_755, %ne3A_750 : i1
      %add3A_757 = arith.addi %rem3A_748, %select_n3A_747 : i32
      %select_n3A_758 = arith.select %and3A_756, %add3A_757, %rem3A_748 : i32
      %mul3A_759 = arith.constant 128 : i32
      %mul3A_760 = arith.muli %select_n3A_758, %mul3A_759 : i32
      %add3A_761 = arith.addi %mul3A_2, %mul3A_760 : i32
      %dma_start3A_762 = arith.constant 3 : i32
      %dma_start3A_763 = arith.constant 3 : i32
      %dma_start3A_764 = arith.constant 0 : i32
      %dma_start3A_765 = arith.constant 0 : i32
      %dma_start3A_766 = tpu.memref_slice %arg6[%dma_start3A_762, %dma_start3A_764, %dma_start3A_765] : memref<5x128x32xf32, #tpu.memory_space<vmem>> -> memref<1x128x32xf32, #tpu.memory_space<vmem>>
      %dma_start3A_767 = tpu.memref_squeeze %dma_start3A_766 : memref<1x128x32xf32, #tpu.memory_space<vmem>> -> memref<128x32xf32, #tpu.memory_space<vmem>>
      %dma_start3A_768 = arith.constant 0 : i32
      %dma_start3A_769 = arith.constant 0 : i32
      %dma_start3A_770 = tpu.memref_slice %arg4[%select_n3A_742, %dma_start3A_768, %dma_start3A_769] : memref<50x16384x32xf32, #tpu.memory_space<hbm>> -> memref<1x16384x32xf32, #tpu.memory_space<hbm>>
      %dma_start3A_771 = tpu.memref_squeeze %dma_start3A_770 : memref<1x16384x32xf32, #tpu.memory_space<hbm>> -> memref<16384x32xf32, #tpu.memory_space<hbm>>
      %dma_start3A_772 = arith.constant 0 : i32
      %dma_start3A_773 = tpu.memref_slice %dma_start3A_771[%add3A_761, %dma_start3A_772] : memref<16384x32xf32, #tpu.memory_space<hbm>> -> memref<128x32xf32, #tpu.memory_space<hbm>>
      %dma_start3A_774 = tpu.memref_slice %arg9[%dma_start3A_763] : memref<5x!tpu.dma_semaphore, #tpu.memory_space<semaphore_mem>> -> memref<1x!tpu.dma_semaphore, #tpu.memory_space<semaphore_mem>>
      %dma_start3A_775 = tpu.memref_squeeze %dma_start3A_774 : memref<1x!tpu.dma_semaphore, #tpu.memory_space<semaphore_mem>> -> memref<!tpu.dma_semaphore, #tpu.memory_space<semaphore_mem>>
      %dma_start3A_776 = arith.constant 0 : i32
      %dma_start3A_777 = arith.constant 0 : i32
      %dma_start3A_778 = tpu.memref_slice %arg4[%select_n3A_742, %dma_start3A_776, %dma_start3A_777] : memref<50x16384x32xf32, #tpu.memory_space<hbm>> -> memref<1x16384x32xf32, #tpu.memory_space<hbm>>
      %dma_start3A_779 = tpu.memref_squeeze %dma_start3A_778 : memref<1x16384x32xf32, #tpu.memory_space<hbm>> -> memref<16384x32xf32, #tpu.memory_space<hbm>>
      %dma_start3A_780 = arith.constant 0 : i32
      %dma_start3A_781 = tpu.memref_slice %dma_start3A_779[%add3A_761, %dma_start3A_780] : memref<16384x32xf32, #tpu.memory_space<hbm>> -> memref<128x32xf32, #tpu.memory_space<hbm>>
      %dma_start3A_782 = arith.constant 0 : i32
      %dma_start3A_783 = arith.constant 0 : i32
      %dma_start3A_784 = tpu.memref_slice %arg6[%dma_start3A_762, %dma_start3A_782, %dma_start3A_783] : memref<5x128x32xf32, #tpu.memory_space<vmem>> -> memref<1x128x32xf32, #tpu.memory_space<vmem>>
      %dma_start3A_785 = tpu.memref_squeeze %dma_start3A_784 : memref<1x128x32xf32, #tpu.memory_space<vmem>> -> memref<128x32xf32, #tpu.memory_space<vmem>>
      tpu.enqueue_dma source(%dma_start3A_785 : memref<128x32xf32, #tpu.memory_space<vmem>>) target(%dma_start3A_781 : memref<128x32xf32, #tpu.memory_space<hbm>>) target_semaphore(%dma_start3A_775 : memref<!tpu.dma_semaphore, #tpu.memory_space<semaphore_mem>>)
      %mul3A_786 = arith.constant 5 : i32
      %mul3A_787 = arith.muli %scan3A_201, %mul3A_786 : i32
      %add3A_788 = arith.constant 4 : i32
      %add3A_789 = arith.addi %mul3A_787, %add3A_788 : i32
      %add3A_790 = arith.constant 3 : i32
      %add3A_791 = arith.addi %add3A_789, %add3A_790 : i32
      %lt3A_792 = arith.constant 200 : i32
      %lt3A_793 = arith.cmpi slt, %add3A_791, %lt3A_792 : i32
      %add3A_794 = arith.constant 3 : i32
      %add3A_795 = arith.addi %add3A_789, %add3A_794 : i32
      %sub3A_796 = arith.constant 5 : i32
      %sub3A_797 = arith.subi %add3A_795, %sub3A_796 : i32
      %ge3A_798 = arith.constant 0 : i32
      %ge3A_799 = arith.cmpi sge, %sub3A_797, %ge3A_798 : i32
      %and3A_800 = arith.andi %lt3A_793, %ge3A_799 : i1
      %convert_element_type3A_801 = arith.extui %and3A_800 : i1 to i32
      %cond3A_802 = arith.constant 0 : i32
      %cond3A_803 = arith.cmpi ne, %convert_element_type3A_801, %cond3A_802 : i32
      scf.if %cond3A_803 {
        %add3A_936 = arith.constant 3 : i32
        %add3A_937 = arith.addi %add3A_789, %add3A_936 : i32
        %sub3A_938 = arith.constant 5 : i32
        %sub3A_939 = arith.subi %add3A_937, %sub3A_938 : i32
        %jit3A_940 = arith.constant 4 : i32
        %div3A_941 = arith.divsi %sub3A_939, %jit3A_940 : i32
        %sign3A_942 = arith.constant 0 : i32
        %sign3A_943 = arith.cmpi sgt, %sub3A_939, %sign3A_942 : i32
        %sign3A_944 = arith.extui %sign3A_943 : i1 to i32
        %sign3A_945 = arith.constant 0 : i32
        %sign3A_946 = arith.cmpi slt, %sub3A_939, %sign3A_945 : i32
        %sign3A_947 = arith.extui %sign3A_946 : i1 to i32
        %sign3A_948 = arith.subi %sign3A_944, %sign3A_947 : i32
        %sign3A_949 = arith.constant 0 : i32
        %sign3A_950 = arith.cmpi sgt, %jit3A_940, %sign3A_949 : i32
        %sign3A_951 = arith.extui %sign3A_950 : i1 to i32
        %sign3A_952 = arith.constant 0 : i32
        %sign3A_953 = arith.cmpi slt, %jit3A_940, %sign3A_952 : i32
        %sign3A_954 = arith.extui %sign3A_953 : i1 to i32
        %sign3A_955 = arith.subi %sign3A_951, %sign3A_954 : i32
        %ne3A_956 = arith.cmpi ne, %sign3A_948, %sign3A_955 : i32
        %rem3A_957 = arith.remsi %sub3A_939, %jit3A_940 : i32
        %ne3A_958 = arith.constant 0 : i32
        %ne3A_959 = arith.cmpi ne, %rem3A_957, %ne3A_958 : i32
        %and3A_960 = arith.andi %ne3A_956, %ne3A_959 : i1
        %sub3A_961 = arith.constant 1 : i32
        %sub3A_962 = arith.subi %div3A_941, %sub3A_961 : i32
        %select_n3A_963 = arith.select %and3A_960, %sub3A_962, %div3A_941 : i32
        %jit3A_964 = arith.constant 4 : i32
        %eq3A_965 = arith.constant 0 : i32
        %eq3A_966 = arith.cmpi eq, %jit3A_964, %eq3A_965 : i32
        %jit3A_967 = arith.constant 1 : i32
        %select_n3A_968 = arith.select %eq3A_966, %jit3A_967, %jit3A_964 : i32
        %rem3A_969 = arith.remsi %sub3A_939, %select_n3A_968 : i32
        %ne3A_970 = arith.constant 0 : i32
        %ne3A_971 = arith.cmpi ne, %rem3A_969, %ne3A_970 : i32
        %lt3A_972 = arith.constant 0 : i32
        %lt3A_973 = arith.cmpi slt, %rem3A_969, %lt3A_972 : i32
        %lt3A_974 = arith.constant 0 : i32
        %lt3A_975 = arith.cmpi slt, %select_n3A_968, %lt3A_974 : i32
        %ne3A_976 = arith.xori %lt3A_973, %lt3A_975 : i1
        %and3A_977 = arith.andi %ne3A_976, %ne3A_971 : i1
        %add3A_978 = arith.addi %rem3A_969, %select_n3A_968 : i32
        %select_n3A_979 = arith.select %and3A_977, %add3A_978, %rem3A_969 : i32
        %mul3A_980 = arith.constant 128 : i32
        %mul3A_981 = arith.muli %select_n3A_979, %mul3A_980 : i32
        %add3A_982 = arith.addi %mul3A_2, %mul3A_981 : i32
        %dma_wait3A_983 = arith.constant 2 : i32
        %dma_wait3A_984 = arith.constant 2 : i32
        %dma_wait3A_985 = arith.constant 0 : i32
        %dma_wait3A_986 = arith.constant 0 : i32
        %dma_wait3A_987 = tpu.memref_slice %arg6[%dma_wait3A_983, %dma_wait3A_985, %dma_wait3A_986] : memref<5x128x32xf32, #tpu.memory_space<vmem>> -> memref<1x128x32xf32, #tpu.memory_space<vmem>>
        %dma_wait3A_988 = tpu.memref_squeeze %dma_wait3A_987 : memref<1x128x32xf32, #tpu.memory_space<vmem>> -> memref<128x32xf32, #tpu.memory_space<vmem>>
        %dma_wait3A_989 = arith.constant 0 : i32
        %dma_wait3A_990 = arith.constant 0 : i32
        %dma_wait3A_991 = tpu.memref_slice %arg4[%select_n3A_963, %dma_wait3A_989, %dma_wait3A_990] : memref<50x16384x32xf32, #tpu.memory_space<hbm>> -> memref<1x16384x32xf32, #tpu.memory_space<hbm>>
        %dma_wait3A_992 = tpu.memref_squeeze %dma_wait3A_991 : memref<1x16384x32xf32, #tpu.memory_space<hbm>> -> memref<16384x32xf32, #tpu.memory_space<hbm>>
        %dma_wait3A_993 = arith.constant 0 : i32
        %dma_wait3A_994 = tpu.memref_slice %dma_wait3A_992[%add3A_982, %dma_wait3A_993] : memref<16384x32xf32, #tpu.memory_space<hbm>> -> memref<128x32xf32, #tpu.memory_space<hbm>>
        %dma_wait3A_995 = tpu.memref_slice %arg9[%dma_wait3A_984] : memref<5x!tpu.dma_semaphore, #tpu.memory_space<semaphore_mem>> -> memref<1x!tpu.dma_semaphore, #tpu.memory_space<semaphore_mem>>
        %dma_wait3A_996 = tpu.memref_squeeze %dma_wait3A_995 : memref<1x!tpu.dma_semaphore, #tpu.memory_space<semaphore_mem>> -> memref<!tpu.dma_semaphore, #tpu.memory_space<semaphore_mem>>
        %dma_wait3A_997 = arith.constant 0 : i32
        %dma_wait3A_998 = arith.constant 0 : i32
        %dma_wait3A_999 = tpu.memref_slice %arg4[%select_n3A_963, %dma_wait3A_997, %dma_wait3A_998] : memref<50x16384x32xf32, #tpu.memory_space<hbm>> -> memref<1x16384x32xf32, #tpu.memory_space<hbm>>
        %dma_wait3A_1000 = tpu.memref_squeeze %dma_wait3A_999 : memref<1x16384x32xf32, #tpu.memory_space<hbm>> -> memref<16384x32xf32, #tpu.memory_space<hbm>>
        %dma_wait3A_1001 = arith.constant 0 : i32
        %dma_wait3A_1002 = tpu.memref_slice %dma_wait3A_1000[%add3A_982, %dma_wait3A_1001] : memref<16384x32xf32, #tpu.memory_space<hbm>> -> memref<128x32xf32, #tpu.memory_space<hbm>>
        %dma_wait3A_1003 = arith.constant 0 : i32
        %dma_wait3A_1004 = arith.constant 0 : i32
        %dma_wait3A_1005 = tpu.memref_slice %arg6[%dma_wait3A_983, %dma_wait3A_1003, %dma_wait3A_1004] : memref<5x128x32xf32, #tpu.memory_space<vmem>> -> memref<1x128x32xf32, #tpu.memory_space<vmem>>
        %dma_wait3A_1006 = tpu.memref_squeeze %dma_wait3A_1005 : memref<1x128x32xf32, #tpu.memory_space<vmem>> -> memref<128x32xf32, #tpu.memory_space<vmem>>
        tpu.wait_dma2 semaphore(%dma_wait3A_996 : memref<!tpu.dma_semaphore, #tpu.memory_space<semaphore_mem>>) src(%dma_wait3A_1006 : memref<128x32xf32, #tpu.memory_space<vmem>>) dst(%dma_wait3A_1002 : memref<128x32xf32, #tpu.memory_space<hbm>>)
      } else {
      }
      %add3A_804 = arith.constant 3 : i32
      %add3A_805 = arith.addi %add3A_789, %add3A_804 : i32
      %lt3A_806 = arith.constant 200 : i32
      %lt3A_807 = arith.cmpi slt, %add3A_805, %lt3A_806 : i32
      %convert_element_type3A_808 = arith.extui %lt3A_807 : i1 to i32
      %cond3A_809 = arith.constant 0 : i32
      %cond3A_810 = arith.cmpi ne, %convert_element_type3A_808, %cond3A_809 : i32
      scf.if %cond3A_810 {
        %add3A_936 = arith.constant 3 : i32
        %add3A_937 = arith.addi %add3A_789, %add3A_936 : i32
        %jit3A_938 = arith.constant 4 : i32
        %div3A_939 = arith.divsi %add3A_937, %jit3A_938 : i32
        %sign3A_940 = arith.constant 0 : i32
        %sign3A_941 = arith.cmpi sgt, %add3A_937, %sign3A_940 : i32
        %sign3A_942 = arith.extui %sign3A_941 : i1 to i32
        %sign3A_943 = arith.constant 0 : i32
        %sign3A_944 = arith.cmpi slt, %add3A_937, %sign3A_943 : i32
        %sign3A_945 = arith.extui %sign3A_944 : i1 to i32
        %sign3A_946 = arith.subi %sign3A_942, %sign3A_945 : i32
        %sign3A_947 = arith.constant 0 : i32
        %sign3A_948 = arith.cmpi sgt, %jit3A_938, %sign3A_947 : i32
        %sign3A_949 = arith.extui %sign3A_948 : i1 to i32
        %sign3A_950 = arith.constant 0 : i32
        %sign3A_951 = arith.cmpi slt, %jit3A_938, %sign3A_950 : i32
        %sign3A_952 = arith.extui %sign3A_951 : i1 to i32
        %sign3A_953 = arith.subi %sign3A_949, %sign3A_952 : i32
        %ne3A_954 = arith.cmpi ne, %sign3A_946, %sign3A_953 : i32
        %rem3A_955 = arith.remsi %add3A_937, %jit3A_938 : i32
        %ne3A_956 = arith.constant 0 : i32
        %ne3A_957 = arith.cmpi ne, %rem3A_955, %ne3A_956 : i32
        %and3A_958 = arith.andi %ne3A_954, %ne3A_957 : i1
        %sub3A_959 = arith.constant 1 : i32
        %sub3A_960 = arith.subi %div3A_939, %sub3A_959 : i32
        %select_n3A_961 = arith.select %and3A_958, %sub3A_960, %div3A_939 : i32
        %jit3A_962 = arith.constant 4 : i32
        %eq3A_963 = arith.constant 0 : i32
        %eq3A_964 = arith.cmpi eq, %jit3A_962, %eq3A_963 : i32
        %jit3A_965 = arith.constant 1 : i32
        %select_n3A_966 = arith.select %eq3A_964, %jit3A_965, %jit3A_962 : i32
        %rem3A_967 = arith.remsi %add3A_937, %select_n3A_966 : i32
        %ne3A_968 = arith.constant 0 : i32
        %ne3A_969 = arith.cmpi ne, %rem3A_967, %ne3A_968 : i32
        %lt3A_970 = arith.constant 0 : i32
        %lt3A_971 = arith.cmpi slt, %rem3A_967, %lt3A_970 : i32
        %lt3A_972 = arith.constant 0 : i32
        %lt3A_973 = arith.cmpi slt, %select_n3A_966, %lt3A_972 : i32
        %ne3A_974 = arith.xori %lt3A_971, %lt3A_973 : i1
        %and3A_975 = arith.andi %ne3A_974, %ne3A_969 : i1
        %add3A_976 = arith.addi %rem3A_967, %select_n3A_966 : i32
        %select_n3A_977 = arith.select %and3A_975, %add3A_976, %rem3A_967 : i32
        %mul3A_978 = arith.constant 128 : i32
        %mul3A_979 = arith.muli %select_n3A_977, %mul3A_978 : i32
        %dma_start3A_980 = arith.constant 2 : i32
        %dma_start3A_981 = arith.constant 2 : i32
        %dma_start3A_982 = arith.constant 0 : i32
        %dma_start3A_983 = arith.constant 0 : i32
        %dma_start3A_984 = tpu.memref_slice %arg6[%dma_start3A_980, %dma_start3A_982, %dma_start3A_983] : memref<5x128x32xf32, #tpu.memory_space<vmem>> -> memref<1x128x32xf32, #tpu.memory_space<vmem>>
        %dma_start3A_985 = tpu.memref_squeeze %dma_start3A_984 : memref<1x128x32xf32, #tpu.memory_space<vmem>> -> memref<128x32xf32, #tpu.memory_space<vmem>>
        %dma_start3A_986 = arith.constant 0 : i32
        %dma_start3A_987 = tpu.memref_slice %arg5[%select_n3A_961, %dma_start3A_986] : memref<50x512xi32, #tpu.memory_space<vmem>> -> memref<1x512xi32, #tpu.memory_space<vmem>>
        %dma_start3A_988 = tpu.memref_squeeze %dma_start3A_987 : memref<1x512xi32, #tpu.memory_space<vmem>> -> memref<512xi32, #tpu.memory_space<vmem>>
        %dma_start3A_989 = tpu.memref_slice %dma_start3A_988[%mul3A_979] : memref<512xi32, #tpu.memory_space<vmem>> -> memref<128xi32, #tpu.memory_space<vmem>>
        %dma_start3A_990 = arith.constant 0 : i32
        %dma_start3A_991 = arith.constant 0 : i32
        %dma_start3A_992 = tpu.memref_slice %arg3[%dma_start3A_990, %dma_start3A_991] : memref<1000000x32xf32, #tpu.memory_space<hbm>> -> memref<1000000x32xf32, #tpu.memory_space<hbm>>
        %dma_start3A_993 = tpu.memref_slice %arg8[%dma_start3A_981] : memref<5x!tpu.dma_semaphore, #tpu.memory_space<semaphore_mem>> -> memref<1x!tpu.dma_semaphore, #tpu.memory_space<semaphore_mem>>
        %dma_start3A_994 = tpu.memref_squeeze %dma_start3A_993 : memref<1x!tpu.dma_semaphore, #tpu.memory_space<semaphore_mem>> -> memref<!tpu.dma_semaphore, #tpu.memory_space<semaphore_mem>>
        tpu.enqueue_indirect_dma source(%dma_start3A_992 : memref<1000000x32xf32, #tpu.memory_space<hbm>>) target(%dma_start3A_985 : memref<128x32xf32, #tpu.memory_space<vmem>>) offsets(%dma_start3A_989 : memref<128xi32, #tpu.memory_space<vmem>>) semaphore(%dma_start3A_994 : memref<!tpu.dma_semaphore, #tpu.memory_space<semaphore_mem>>)
      } else {
      }
      %jit3A_811 = arith.constant 4 : i32
      %div3A_812 = arith.divsi %add3A_789, %jit3A_811 : i32
      %sign3A_813 = arith.constant 0 : i32
      %sign3A_814 = arith.cmpi sgt, %add3A_789, %sign3A_813 : i32
      %sign3A_815 = arith.extui %sign3A_814 : i1 to i32
      %sign3A_816 = arith.constant 0 : i32
      %sign3A_817 = arith.cmpi slt, %add3A_789, %sign3A_816 : i32
      %sign3A_818 = arith.extui %sign3A_817 : i1 to i32
      %sign3A_819 = arith.subi %sign3A_815, %sign3A_818 : i32
      %sign3A_820 = arith.constant 0 : i32
      %sign3A_821 = arith.cmpi sgt, %jit3A_811, %sign3A_820 : i32
      %sign3A_822 = arith.extui %sign3A_821 : i1 to i32
      %sign3A_823 = arith.constant 0 : i32
      %sign3A_824 = arith.cmpi slt, %jit3A_811, %sign3A_823 : i32
      %sign3A_825 = arith.extui %sign3A_824 : i1 to i32
      %sign3A_826 = arith.subi %sign3A_822, %sign3A_825 : i32
      %ne3A_827 = arith.cmpi ne, %sign3A_819, %sign3A_826 : i32
      %rem3A_828 = arith.remsi %add3A_789, %jit3A_811 : i32
      %ne3A_829 = arith.constant 0 : i32
      %ne3A_830 = arith.cmpi ne, %rem3A_828, %ne3A_829 : i32
      %and3A_831 = arith.andi %ne3A_827, %ne3A_830 : i1
      %sub3A_832 = arith.constant 1 : i32
      %sub3A_833 = arith.subi %div3A_812, %sub3A_832 : i32
      %select_n3A_834 = arith.select %and3A_831, %sub3A_833, %div3A_812 : i32
      %jit3A_835 = arith.constant 4 : i32
      %eq3A_836 = arith.constant 0 : i32
      %eq3A_837 = arith.cmpi eq, %jit3A_835, %eq3A_836 : i32
      %jit3A_838 = arith.constant 1 : i32
      %select_n3A_839 = arith.select %eq3A_837, %jit3A_838, %jit3A_835 : i32
      %rem3A_840 = arith.remsi %add3A_789, %select_n3A_839 : i32
      %ne3A_841 = arith.constant 0 : i32
      %ne3A_842 = arith.cmpi ne, %rem3A_840, %ne3A_841 : i32
      %lt3A_843 = arith.constant 0 : i32
      %lt3A_844 = arith.cmpi slt, %rem3A_840, %lt3A_843 : i32
      %lt3A_845 = arith.constant 0 : i32
      %lt3A_846 = arith.cmpi slt, %select_n3A_839, %lt3A_845 : i32
      %ne3A_847 = arith.xori %lt3A_844, %lt3A_846 : i1
      %and3A_848 = arith.andi %ne3A_847, %ne3A_842 : i1
      %add3A_849 = arith.addi %rem3A_840, %select_n3A_839 : i32
      %select_n3A_850 = arith.select %and3A_848, %add3A_849, %rem3A_840 : i32
      %mul3A_851 = arith.constant 128 : i32
      %mul3A_852 = arith.muli %select_n3A_850, %mul3A_851 : i32
      %dma_wait3A_853 = arith.constant 4 : i32
      %dma_wait3A_854 = arith.constant 4 : i32
      %dma_wait3A_855 = arith.constant 0 : i32
      %dma_wait3A_856 = arith.constant 0 : i32
      %dma_wait3A_857 = tpu.memref_slice %arg6[%dma_wait3A_853, %dma_wait3A_855, %dma_wait3A_856] : memref<5x128x32xf32, #tpu.memory_space<vmem>> -> memref<1x128x32xf32, #tpu.memory_space<vmem>>
      %dma_wait3A_858 = tpu.memref_squeeze %dma_wait3A_857 : memref<1x128x32xf32, #tpu.memory_space<vmem>> -> memref<128x32xf32, #tpu.memory_space<vmem>>
      %dma_wait3A_859 = arith.constant 0 : i32
      %dma_wait3A_860 = tpu.memref_slice %arg5[%select_n3A_834, %dma_wait3A_859] : memref<50x512xi32, #tpu.memory_space<vmem>> -> memref<1x512xi32, #tpu.memory_space<vmem>>
      %dma_wait3A_861 = tpu.memref_squeeze %dma_wait3A_860 : memref<1x512xi32, #tpu.memory_space<vmem>> -> memref<512xi32, #tpu.memory_space<vmem>>
      %dma_wait3A_862 = tpu.memref_slice %dma_wait3A_861[%mul3A_852] : memref<512xi32, #tpu.memory_space<vmem>> -> memref<128xi32, #tpu.memory_space<vmem>>
      %dma_wait3A_863 = arith.constant 0 : i32
      %dma_wait3A_864 = arith.constant 0 : i32
      %dma_wait3A_865 = tpu.memref_slice %arg3[%dma_wait3A_863, %dma_wait3A_864] : memref<1000000x32xf32, #tpu.memory_space<hbm>> -> memref<1000000x32xf32, #tpu.memory_space<hbm>>
      %dma_wait3A_866 = tpu.memref_slice %arg8[%dma_wait3A_854] : memref<5x!tpu.dma_semaphore, #tpu.memory_space<semaphore_mem>> -> memref<1x!tpu.dma_semaphore, #tpu.memory_space<semaphore_mem>>
      %dma_wait3A_867 = tpu.memref_squeeze %dma_wait3A_866 : memref<1x!tpu.dma_semaphore, #tpu.memory_space<semaphore_mem>> -> memref<!tpu.dma_semaphore, #tpu.memory_space<semaphore_mem>>
      tpu.wait_indirect_dma semaphore(%dma_wait3A_867 : memref<!tpu.dma_semaphore, #tpu.memory_space<semaphore_mem>>) src(%dma_wait3A_865 : memref<1000000x32xf32, #tpu.memory_space<hbm>>) dst(%dma_wait3A_858 : memref<128x32xf32, #tpu.memory_space<vmem>>)
      %jit3A_868 = arith.constant 4 : i32
      %div3A_869 = arith.divsi %add3A_789, %jit3A_868 : i32
      %sign3A_870 = arith.constant 0 : i32
      %sign3A_871 = arith.cmpi sgt, %add3A_789, %sign3A_870 : i32
      %sign3A_872 = arith.extui %sign3A_871 : i1 to i32
      %sign3A_873 = arith.constant 0 : i32
      %sign3A_874 = arith.cmpi slt, %add3A_789, %sign3A_873 : i32
      %sign3A_875 = arith.extui %sign3A_874 : i1 to i32
      %sign3A_876 = arith.subi %sign3A_872, %sign3A_875 : i32
      %sign3A_877 = arith.constant 0 : i32
      %sign3A_878 = arith.cmpi sgt, %jit3A_868, %sign3A_877 : i32
      %sign3A_879 = arith.extui %sign3A_878 : i1 to i32
      %sign3A_880 = arith.constant 0 : i32
      %sign3A_881 = arith.cmpi slt, %jit3A_868, %sign3A_880 : i32
      %sign3A_882 = arith.extui %sign3A_881 : i1 to i32
      %sign3A_883 = arith.subi %sign3A_879, %sign3A_882 : i32
      %ne3A_884 = arith.cmpi ne, %sign3A_876, %sign3A_883 : i32
      %rem3A_885 = arith.remsi %add3A_789, %jit3A_868 : i32
      %ne3A_886 = arith.constant 0 : i32
      %ne3A_887 = arith.cmpi ne, %rem3A_885, %ne3A_886 : i32
      %and3A_888 = arith.andi %ne3A_884, %ne3A_887 : i1
      %sub3A_889 = arith.constant 1 : i32
      %sub3A_890 = arith.subi %div3A_869, %sub3A_889 : i32
      %select_n3A_891 = arith.select %and3A_888, %sub3A_890, %div3A_869 : i32
      %jit3A_892 = arith.constant 4 : i32
      %eq3A_893 = arith.constant 0 : i32
      %eq3A_894 = arith.cmpi eq, %jit3A_892, %eq3A_893 : i32
      %jit3A_895 = arith.constant 1 : i32
      %select_n3A_896 = arith.select %eq3A_894, %jit3A_895, %jit3A_892 : i32
      %rem3A_897 = arith.remsi %add3A_789, %select_n3A_896 : i32
      %ne3A_898 = arith.constant 0 : i32
      %ne3A_899 = arith.cmpi ne, %rem3A_897, %ne3A_898 : i32
      %lt3A_900 = arith.constant 0 : i32
      %lt3A_901 = arith.cmpi slt, %rem3A_897, %lt3A_900 : i32
      %lt3A_902 = arith.constant 0 : i32
      %lt3A_903 = arith.cmpi slt, %select_n3A_896, %lt3A_902 : i32
      %ne3A_904 = arith.xori %lt3A_901, %lt3A_903 : i1
      %and3A_905 = arith.andi %ne3A_904, %ne3A_899 : i1
      %add3A_906 = arith.addi %rem3A_897, %select_n3A_896 : i32
      %select_n3A_907 = arith.select %and3A_905, %add3A_906, %rem3A_897 : i32
      %mul3A_908 = arith.constant 128 : i32
      %mul3A_909 = arith.muli %select_n3A_907, %mul3A_908 : i32
      %add3A_910 = arith.addi %mul3A_2, %mul3A_909 : i32
      %dma_start3A_911 = arith.constant 4 : i32
      %dma_start3A_912 = arith.constant 4 : i32
      %dma_start3A_913 = arith.constant 0 : i32
      %dma_start3A_914 = arith.constant 0 : i32
      %dma_start3A_915 = tpu.memref_slice %arg6[%dma_start3A_911, %dma_start3A_913, %dma_start3A_914] : memref<5x128x32xf32, #tpu.memory_space<vmem>> -> memref<1x128x32xf32, #tpu.memory_space<vmem>>
      %dma_start3A_916 = tpu.memref_squeeze %dma_start3A_915 : memref<1x128x32xf32, #tpu.memory_space<vmem>> -> memref<128x32xf32, #tpu.memory_space<vmem>>
      %dma_start3A_917 = arith.constant 0 : i32
      %dma_start3A_918 = arith.constant 0 : i32
      %dma_start3A_919 = tpu.memref_slice %arg4[%select_n3A_891, %dma_start3A_917, %dma_start3A_918] : memref<50x16384x32xf32, #tpu.memory_space<hbm>> -> memref<1x16384x32xf32, #tpu.memory_space<hbm>>
      %dma_start3A_920 = tpu.memref_squeeze %dma_start3A_919 : memref<1x16384x32xf32, #tpu.memory_space<hbm>> -> memref<16384x32xf32, #tpu.memory_space<hbm>>
      %dma_start3A_921 = arith.constant 0 : i32
      %dma_start3A_922 = tpu.memref_slice %dma_start3A_920[%add3A_910, %dma_start3A_921] : memref<16384x32xf32, #tpu.memory_space<hbm>> -> memref<128x32xf32, #tpu.memory_space<hbm>>
      %dma_start3A_923 = tpu.memref_slice %arg9[%dma_start3A_912] : memref<5x!tpu.dma_semaphore, #tpu.memory_space<semaphore_mem>> -> memref<1x!tpu.dma_semaphore, #tpu.memory_space<semaphore_mem>>
      %dma_start3A_924 = tpu.memref_squeeze %dma_start3A_923 : memref<1x!tpu.dma_semaphore, #tpu.memory_space<semaphore_mem>> -> memref<!tpu.dma_semaphore, #tpu.memory_space<semaphore_mem>>
      %dma_start3A_925 = arith.constant 0 : i32
      %dma_start3A_926 = arith.constant 0 : i32
      %dma_start3A_927 = tpu.memref_slice %arg4[%select_n3A_891, %dma_start3A_925, %dma_start3A_926] : memref<50x16384x32xf32, #tpu.memory_space<hbm>> -> memref<1x16384x32xf32, #tpu.memory_space<hbm>>
      %dma_start3A_928 = tpu.memref_squeeze %dma_start3A_927 : memref<1x16384x32xf32, #tpu.memory_space<hbm>> -> memref<16384x32xf32, #tpu.memory_space<hbm>>
      %dma_start3A_929 = arith.constant 0 : i32
      %dma_start3A_930 = tpu.memref_slice %dma_start3A_928[%add3A_910, %dma_start3A_929] : memref<16384x32xf32, #tpu.memory_space<hbm>> -> memref<128x32xf32, #tpu.memory_space<hbm>>
      %dma_start3A_931 = arith.constant 0 : i32
      %dma_start3A_932 = arith.constant 0 : i32
      %dma_start3A_933 = tpu.memref_slice %arg6[%dma_start3A_911, %dma_start3A_931, %dma_start3A_932] : memref<5x128x32xf32, #tpu.memory_space<vmem>> -> memref<1x128x32xf32, #tpu.memory_space<vmem>>
      %dma_start3A_934 = tpu.memref_squeeze %dma_start3A_933 : memref<1x128x32xf32, #tpu.memory_space<vmem>> -> memref<128x32xf32, #tpu.memory_space<vmem>>
      tpu.enqueue_dma source(%dma_start3A_934 : memref<128x32xf32, #tpu.memory_space<vmem>>) target(%dma_start3A_930 : memref<128x32xf32, #tpu.memory_space<hbm>>) target_semaphore(%dma_start3A_924 : memref<!tpu.dma_semaphore, #tpu.memory_space<semaphore_mem>>)
      %scan3A_935 = arith.constant 0 : i32
      scf.yield %scan3A_935 : i32
    }
    %scan3A_65 = arith.constant 40 : i32
    %add3A_66 = arith.constant 384 : i32
    %add3A_67 = arith.addi %mul3A_2, %add3A_66 : i32
    %dma_wait3A_68 = arith.constant 0 : i32
    %dma_wait3A_69 = arith.constant 48 : i32
    %dma_wait3A_70 = arith.constant 0 : i32
    %dma_wait3A_71 = arith.constant 0 : i32
    %dma_wait3A_72 = arith.constant 0 : i32
    %dma_wait3A_73 = tpu.memref_slice %arg6[%dma_wait3A_68, %dma_wait3A_71, %dma_wait3A_72] : memref<5x128x32xf32, #tpu.memory_space<vmem>> -> memref<1x128x32xf32, #tpu.memory_space<vmem>>
    %dma_wait3A_74 = tpu.memref_squeeze %dma_wait3A_73 : memref<1x128x32xf32, #tpu.memory_space<vmem>> -> memref<128x32xf32, #tpu.memory_space<vmem>>
    %dma_wait3A_75 = arith.constant 0 : i32
    %dma_wait3A_76 = arith.constant 0 : i32
    %dma_wait3A_77 = tpu.memref_slice %arg4[%dma_wait3A_69, %dma_wait3A_75, %dma_wait3A_76] : memref<50x16384x32xf32, #tpu.memory_space<hbm>> -> memref<1x16384x32xf32, #tpu.memory_space<hbm>>
    %dma_wait3A_78 = tpu.memref_squeeze %dma_wait3A_77 : memref<1x16384x32xf32, #tpu.memory_space<hbm>> -> memref<16384x32xf32, #tpu.memory_space<hbm>>
    %dma_wait3A_79 = arith.constant 0 : i32
    %dma_wait3A_80 = tpu.memref_slice %dma_wait3A_78[%add3A_67, %dma_wait3A_79] : memref<16384x32xf32, #tpu.memory_space<hbm>> -> memref<128x32xf32, #tpu.memory_space<hbm>>
    %dma_wait3A_81 = tpu.memref_slice %arg9[%dma_wait3A_70] : memref<5x!tpu.dma_semaphore, #tpu.memory_space<semaphore_mem>> -> memref<1x!tpu.dma_semaphore, #tpu.memory_space<semaphore_mem>>
    %dma_wait3A_82 = tpu.memref_squeeze %dma_wait3A_81 : memref<1x!tpu.dma_semaphore, #tpu.memory_space<semaphore_mem>> -> memref<!tpu.dma_semaphore, #tpu.memory_space<semaphore_mem>>
    %dma_wait3A_83 = arith.constant 0 : i32
    %dma_wait3A_84 = arith.constant 0 : i32
    %dma_wait3A_85 = tpu.memref_slice %arg4[%dma_wait3A_69, %dma_wait3A_83, %dma_wait3A_84] : memref<50x16384x32xf32, #tpu.memory_space<hbm>> -> memref<1x16384x32xf32, #tpu.memory_space<hbm>>
    %dma_wait3A_86 = tpu.memref_squeeze %dma_wait3A_85 : memref<1x16384x32xf32, #tpu.memory_space<hbm>> -> memref<16384x32xf32, #tpu.memory_space<hbm>>
    %dma_wait3A_87 = arith.constant 0 : i32
    %dma_wait3A_88 = tpu.memref_slice %dma_wait3A_86[%add3A_67, %dma_wait3A_87] : memref<16384x32xf32, #tpu.memory_space<hbm>> -> memref<128x32xf32, #tpu.memory_space<hbm>>
    %dma_wait3A_89 = arith.constant 0 : i32
    %dma_wait3A_90 = arith.constant 0 : i32
    %dma_wait3A_91 = tpu.memref_slice %arg6[%dma_wait3A_68, %dma_wait3A_89, %dma_wait3A_90] : memref<5x128x32xf32, #tpu.memory_space<vmem>> -> memref<1x128x32xf32, #tpu.memory_space<vmem>>
    %dma_wait3A_92 = tpu.memref_squeeze %dma_wait3A_91 : memref<1x128x32xf32, #tpu.memory_space<vmem>> -> memref<128x32xf32, #tpu.memory_space<vmem>>
    tpu.wait_dma2 semaphore(%dma_wait3A_82 : memref<!tpu.dma_semaphore, #tpu.memory_space<semaphore_mem>>) src(%dma_wait3A_92 : memref<128x32xf32, #tpu.memory_space<vmem>>) dst(%dma_wait3A_88 : memref<128x32xf32, #tpu.memory_space<hbm>>)
    %add3A_93 = arith.constant 0 : i32
    %add3A_94 = arith.addi %mul3A_2, %add3A_93 : i32
    %dma_wait3A_95 = arith.constant 1 : i32
    %dma_wait3A_96 = arith.constant 49 : i32
    %dma_wait3A_97 = arith.constant 1 : i32
    %dma_wait3A_98 = arith.constant 0 : i32
    %dma_wait3A_99 = arith.constant 0 : i32
    %dma_wait3A_100 = tpu.memref_slice %arg6[%dma_wait3A_95, %dma_wait3A_98, %dma_wait3A_99] : memref<5x128x32xf32, #tpu.memory_space<vmem>> -> memref<1x128x32xf32, #tpu.memory_space<vmem>>
    %dma_wait3A_101 = tpu.memref_squeeze %dma_wait3A_100 : memref<1x128x32xf32, #tpu.memory_space<vmem>> -> memref<128x32xf32, #tpu.memory_space<vmem>>
    %dma_wait3A_102 = arith.constant 0 : i32
    %dma_wait3A_103 = arith.constant 0 : i32
    %dma_wait3A_104 = tpu.memref_slice %arg4[%dma_wait3A_96, %dma_wait3A_102, %dma_wait3A_103] : memref<50x16384x32xf32, #tpu.memory_space<hbm>> -> memref<1x16384x32xf32, #tpu.memory_space<hbm>>
    %dma_wait3A_105 = tpu.memref_squeeze %dma_wait3A_104 : memref<1x16384x32xf32, #tpu.memory_space<hbm>> -> memref<16384x32xf32, #tpu.memory_space<hbm>>
    %dma_wait3A_106 = arith.constant 0 : i32
    %dma_wait3A_107 = tpu.memref_slice %dma_wait3A_105[%add3A_94, %dma_wait3A_106] : memref<16384x32xf32, #tpu.memory_space<hbm>> -> memref<128x32xf32, #tpu.memory_space<hbm>>
    %dma_wait3A_108 = tpu.memref_slice %arg9[%dma_wait3A_97] : memref<5x!tpu.dma_semaphore, #tpu.memory_space<semaphore_mem>> -> memref<1x!tpu.dma_semaphore, #tpu.memory_space<semaphore_mem>>
    %dma_wait3A_109 = tpu.memref_squeeze %dma_wait3A_108 : memref<1x!tpu.dma_semaphore, #tpu.memory_space<semaphore_mem>> -> memref<!tpu.dma_semaphore, #tpu.memory_space<semaphore_mem>>
    %dma_wait3A_110 = arith.constant 0 : i32
    %dma_wait3A_111 = arith.constant 0 : i32
    %dma_wait3A_112 = tpu.memref_slice %arg4[%dma_wait3A_96, %dma_wait3A_110, %dma_wait3A_111] : memref<50x16384x32xf32, #tpu.memory_space<hbm>> -> memref<1x16384x32xf32, #tpu.memory_space<hbm>>
    %dma_wait3A_113 = tpu.memref_squeeze %dma_wait3A_112 : memref<1x16384x32xf32, #tpu.memory_space<hbm>> -> memref<16384x32xf32, #tpu.memory_space<hbm>>
    %dma_wait3A_114 = arith.constant 0 : i32
    %dma_wait3A_115 = tpu.memref_slice %dma_wait3A_113[%add3A_94, %dma_wait3A_114] : memref<16384x32xf32, #tpu.memory_space<hbm>> -> memref<128x32xf32, #tpu.memory_space<hbm>>
    %dma_wait3A_116 = arith.constant 0 : i32
    %dma_wait3A_117 = arith.constant 0 : i32
    %dma_wait3A_118 = tpu.memref_slice %arg6[%dma_wait3A_95, %dma_wait3A_116, %dma_wait3A_117] : memref<5x128x32xf32, #tpu.memory_space<vmem>> -> memref<1x128x32xf32, #tpu.memory_space<vmem>>
    %dma_wait3A_119 = tpu.memref_squeeze %dma_wait3A_118 : memref<1x128x32xf32, #tpu.memory_space<vmem>> -> memref<128x32xf32, #tpu.memory_space<vmem>>
    tpu.wait_dma2 semaphore(%dma_wait3A_109 : memref<!tpu.dma_semaphore, #tpu.memory_space<semaphore_mem>>) src(%dma_wait3A_119 : memref<128x32xf32, #tpu.memory_space<vmem>>) dst(%dma_wait3A_115 : memref<128x32xf32, #tpu.memory_space<hbm>>)
    %add3A_120 = arith.constant 128 : i32
    %add3A_121 = arith.addi %mul3A_2, %add3A_120 : i32
    %dma_wait3A_122 = arith.constant 2 : i32
    %dma_wait3A_123 = arith.constant 49 : i32
    %dma_wait3A_124 = arith.constant 2 : i32
    %dma_wait3A_125 = arith.constant 0 : i32
    %dma_wait3A_126 = arith.constant 0 : i32
    %dma_wait3A_127 = tpu.memref_slice %arg6[%dma_wait3A_122, %dma_wait3A_125, %dma_wait3A_126] : memref<5x128x32xf32, #tpu.memory_space<vmem>> -> memref<1x128x32xf32, #tpu.memory_space<vmem>>
    %dma_wait3A_128 = tpu.memref_squeeze %dma_wait3A_127 : memref<1x128x32xf32, #tpu.memory_space<vmem>> -> memref<128x32xf32, #tpu.memory_space<vmem>>
    %dma_wait3A_129 = arith.constant 0 : i32
    %dma_wait3A_130 = arith.constant 0 : i32
    %dma_wait3A_131 = tpu.memref_slice %arg4[%dma_wait3A_123, %dma_wait3A_129, %dma_wait3A_130] : memref<50x16384x32xf32, #tpu.memory_space<hbm>> -> memref<1x16384x32xf32, #tpu.memory_space<hbm>>
    %dma_wait3A_132 = tpu.memref_squeeze %dma_wait3A_131 : memref<1x16384x32xf32, #tpu.memory_space<hbm>> -> memref<16384x32xf32, #tpu.memory_space<hbm>>
    %dma_wait3A_133 = arith.constant 0 : i32
    %dma_wait3A_134 = tpu.memref_slice %dma_wait3A_132[%add3A_121, %dma_wait3A_133] : memref<16384x32xf32, #tpu.memory_space<hbm>> -> memref<128x32xf32, #tpu.memory_space<hbm>>
    %dma_wait3A_135 = tpu.memref_slice %arg9[%dma_wait3A_124] : memref<5x!tpu.dma_semaphore, #tpu.memory_space<semaphore_mem>> -> memref<1x!tpu.dma_semaphore, #tpu.memory_space<semaphore_mem>>
    %dma_wait3A_136 = tpu.memref_squeeze %dma_wait3A_135 : memref<1x!tpu.dma_semaphore, #tpu.memory_space<semaphore_mem>> -> memref<!tpu.dma_semaphore, #tpu.memory_space<semaphore_mem>>
    %dma_wait3A_137 = arith.constant 0 : i32
    %dma_wait3A_138 = arith.constant 0 : i32
    %dma_wait3A_139 = tpu.memref_slice %arg4[%dma_wait3A_123, %dma_wait3A_137, %dma_wait3A_138] : memref<50x16384x32xf32, #tpu.memory_space<hbm>> -> memref<1x16384x32xf32, #tpu.memory_space<hbm>>
    %dma_wait3A_140 = tpu.memref_squeeze %dma_wait3A_139 : memref<1x16384x32xf32, #tpu.memory_space<hbm>> -> memref<16384x32xf32, #tpu.memory_space<hbm>>
    %dma_wait3A_141 = arith.constant 0 : i32
    %dma_wait3A_142 = tpu.memref_slice %dma_wait3A_140[%add3A_121, %dma_wait3A_141] : memref<16384x32xf32, #tpu.memory_space<hbm>> -> memref<128x32xf32, #tpu.memory_space<hbm>>
    %dma_wait3A_143 = arith.constant 0 : i32
    %dma_wait3A_144 = arith.constant 0 : i32
    %dma_wait3A_145 = tpu.memref_slice %arg6[%dma_wait3A_122, %dma_wait3A_143, %dma_wait3A_144] : memref<5x128x32xf32, #tpu.memory_space<vmem>> -> memref<1x128x32xf32, #tpu.memory_space<vmem>>
    %dma_wait3A_146 = tpu.memref_squeeze %dma_wait3A_145 : memref<1x128x32xf32, #tpu.memory_space<vmem>> -> memref<128x32xf32, #tpu.memory_space<vmem>>
    tpu.wait_dma2 semaphore(%dma_wait3A_136 : memref<!tpu.dma_semaphore, #tpu.memory_space<semaphore_mem>>) src(%dma_wait3A_146 : memref<128x32xf32, #tpu.memory_space<vmem>>) dst(%dma_wait3A_142 : memref<128x32xf32, #tpu.memory_space<hbm>>)
    %add3A_147 = arith.constant 256 : i32
    %add3A_148 = arith.addi %mul3A_2, %add3A_147 : i32
    %dma_wait3A_149 = arith.constant 3 : i32
    %dma_wait3A_150 = arith.constant 49 : i32
    %dma_wait3A_151 = arith.constant 3 : i32
    %dma_wait3A_152 = arith.constant 0 : i32
    %dma_wait3A_153 = arith.constant 0 : i32
    %dma_wait3A_154 = tpu.memref_slice %arg6[%dma_wait3A_149, %dma_wait3A_152, %dma_wait3A_153] : memref<5x128x32xf32, #tpu.memory_space<vmem>> -> memref<1x128x32xf32, #tpu.memory_space<vmem>>
    %dma_wait3A_155 = tpu.memref_squeeze %dma_wait3A_154 : memref<1x128x32xf32, #tpu.memory_space<vmem>> -> memref<128x32xf32, #tpu.memory_space<vmem>>
    %dma_wait3A_156 = arith.constant 0 : i32
    %dma_wait3A_157 = arith.constant 0 : i32
    %dma_wait3A_158 = tpu.memref_slice %arg4[%dma_wait3A_150, %dma_wait3A_156, %dma_wait3A_157] : memref<50x16384x32xf32, #tpu.memory_space<hbm>> -> memref<1x16384x32xf32, #tpu.memory_space<hbm>>
    %dma_wait3A_159 = tpu.memref_squeeze %dma_wait3A_158 : memref<1x16384x32xf32, #tpu.memory_space<hbm>> -> memref<16384x32xf32, #tpu.memory_space<hbm>>
    %dma_wait3A_160 = arith.constant 0 : i32
    %dma_wait3A_161 = tpu.memref_slice %dma_wait3A_159[%add3A_148, %dma_wait3A_160] : memref<16384x32xf32, #tpu.memory_space<hbm>> -> memref<128x32xf32, #tpu.memory_space<hbm>>
    %dma_wait3A_162 = tpu.memref_slice %arg9[%dma_wait3A_151] : memref<5x!tpu.dma_semaphore, #tpu.memory_space<semaphore_mem>> -> memref<1x!tpu.dma_semaphore, #tpu.memory_space<semaphore_mem>>
    %dma_wait3A_163 = tpu.memref_squeeze %dma_wait3A_162 : memref<1x!tpu.dma_semaphore, #tpu.memory_space<semaphore_mem>> -> memref<!tpu.dma_semaphore, #tpu.memory_space<semaphore_mem>>
    %dma_wait3A_164 = arith.constant 0 : i32
    %dma_wait3A_165 = arith.constant 0 : i32
    %dma_wait3A_166 = tpu.memref_slice %arg4[%dma_wait3A_150, %dma_wait3A_164, %dma_wait3A_165] : memref<50x16384x32xf32, #tpu.memory_space<hbm>> -> memref<1x16384x32xf32, #tpu.memory_space<hbm>>
    %dma_wait3A_167 = tpu.memref_squeeze %dma_wait3A_166 : memref<1x16384x32xf32, #tpu.memory_space<hbm>> -> memref<16384x32xf32, #tpu.memory_space<hbm>>
    %dma_wait3A_168 = arith.constant 0 : i32
    %dma_wait3A_169 = tpu.memref_slice %dma_wait3A_167[%add3A_148, %dma_wait3A_168] : memref<16384x32xf32, #tpu.memory_space<hbm>> -> memref<128x32xf32, #tpu.memory_space<hbm>>
    %dma_wait3A_170 = arith.constant 0 : i32
    %dma_wait3A_171 = arith.constant 0 : i32
    %dma_wait3A_172 = tpu.memref_slice %arg6[%dma_wait3A_149, %dma_wait3A_170, %dma_wait3A_171] : memref<5x128x32xf32, #tpu.memory_space<vmem>> -> memref<1x128x32xf32, #tpu.memory_space<vmem>>
    %dma_wait3A_173 = tpu.memref_squeeze %dma_wait3A_172 : memref<1x128x32xf32, #tpu.memory_space<vmem>> -> memref<128x32xf32, #tpu.memory_space<vmem>>
    tpu.wait_dma2 semaphore(%dma_wait3A_163 : memref<!tpu.dma_semaphore, #tpu.memory_space<semaphore_mem>>) src(%dma_wait3A_173 : memref<128x32xf32, #tpu.memory_space<vmem>>) dst(%dma_wait3A_169 : memref<128x32xf32, #tpu.memory_space<hbm>>)
    %add3A_174 = arith.constant 384 : i32
    %add3A_175 = arith.addi %mul3A_2, %add3A_174 : i32
    %dma_wait3A_176 = arith.constant 4 : i32
    %dma_wait3A_177 = arith.constant 49 : i32
    %dma_wait3A_178 = arith.constant 4 : i32
    %dma_wait3A_179 = arith.constant 0 : i32
    %dma_wait3A_180 = arith.constant 0 : i32
    %dma_wait3A_181 = tpu.memref_slice %arg6[%dma_wait3A_176, %dma_wait3A_179, %dma_wait3A_180] : memref<5x128x32xf32, #tpu.memory_space<vmem>> -> memref<1x128x32xf32, #tpu.memory_space<vmem>>
    %dma_wait3A_182 = tpu.memref_squeeze %dma_wait3A_181 : memref<1x128x32xf32, #tpu.memory_space<vmem>> -> memref<128x32xf32, #tpu.memory_space<vmem>>
    %dma_wait3A_183 = arith.constant 0 : i32
    %dma_wait3A_184 = arith.constant 0 : i32
    %dma_wait3A_185 = tpu.memref_slice %arg4[%dma_wait3A_177, %dma_wait3A_183, %dma_wait3A_184] : memref<50x16384x32xf32, #tpu.memory_space<hbm>> -> memref<1x16384x32xf32, #tpu.memory_space<hbm>>
    %dma_wait3A_186 = tpu.memref_squeeze %dma_wait3A_185 : memref<1x16384x32xf32, #tpu.memory_space<hbm>> -> memref<16384x32xf32, #tpu.memory_space<hbm>>
    %dma_wait3A_187 = arith.constant 0 : i32
    %dma_wait3A_188 = tpu.memref_slice %dma_wait3A_186[%add3A_175, %dma_wait3A_187] : memref<16384x32xf32, #tpu.memory_space<hbm>> -> memref<128x32xf32, #tpu.memory_space<hbm>>
    %dma_wait3A_189 = tpu.memref_slice %arg9[%dma_wait3A_178] : memref<5x!tpu.dma_semaphore, #tpu.memory_space<semaphore_mem>> -> memref<1x!tpu.dma_semaphore, #tpu.memory_space<semaphore_mem>>
    %dma_wait3A_190 = tpu.memref_squeeze %dma_wait3A_189 : memref<1x!tpu.dma_semaphore, #tpu.memory_space<semaphore_mem>> -> memref<!tpu.dma_semaphore, #tpu.memory_space<semaphore_mem>>
    %dma_wait3A_191 = arith.constant 0 : i32
    %dma_wait3A_192 = arith.constant 0 : i32
    %dma_wait3A_193 = tpu.memref_slice %arg4[%dma_wait3A_177, %dma_wait3A_191, %dma_wait3A_192] : memref<50x16384x32xf32, #tpu.memory_space<hbm>> -> memref<1x16384x32xf32, #tpu.memory_space<hbm>>
    %dma_wait3A_194 = tpu.memref_squeeze %dma_wait3A_193 : memref<1x16384x32xf32, #tpu.memory_space<hbm>> -> memref<16384x32xf32, #tpu.memory_space<hbm>>
    %dma_wait3A_195 = arith.constant 0 : i32
    %dma_wait3A_196 = tpu.memref_slice %dma_wait3A_194[%add3A_175, %dma_wait3A_195] : memref<16384x32xf32, #tpu.memory_space<hbm>> -> memref<128x32xf32, #tpu.memory_space<hbm>>
    %dma_wait3A_197 = arith.constant 0 : i32
    %dma_wait3A_198 = arith.constant 0 : i32
    %dma_wait3A_199 = tpu.memref_slice %arg6[%dma_wait3A_176, %dma_wait3A_197, %dma_wait3A_198] : memref<5x128x32xf32, #tpu.memory_space<vmem>> -> memref<1x128x32xf32, #tpu.memory_space<vmem>>
    %dma_wait3A_200 = tpu.memref_squeeze %dma_wait3A_199 : memref<1x128x32xf32, #tpu.memory_space<vmem>> -> memref<128x32xf32, #tpu.memory_space<vmem>>
    tpu.wait_dma2 semaphore(%dma_wait3A_190 : memref<!tpu.dma_semaphore, #tpu.memory_space<semaphore_mem>>) src(%dma_wait3A_200 : memref<128x32xf32, #tpu.memory_space<vmem>>) dst(%dma_wait3A_196 : memref<128x32xf32, #tpu.memory_space<hbm>>)
    return
  }
}

</mosaic_0001>

<sc_bundles>
// kernel: _sc_embed.3.cloned.1.call-start
scs
__scs_entry_jumppad:
0x0: {  	(pc) =	sbr.rel $0x88, $3  }
0x1: {  	(tag) =	ssettag $0x0;
	lr =	simm.s32 $0x1  }
0x2: {  	[smem:$0x3F9F] =	sst lr;
	_ =	strace $0xD0000000  }
0x3: {  	_ = 	snop  }
0x4: {  	_ = 	snop  }
0x5: {  	_ = 	snop  }
0x6: {  	_ = 	snop  }
0x7: {  	_ = 	snop  }
__scs_overlays_trampoline_lowered:
0x8: {  	[smem:$0x3FAE] =	sst s0  }
0x9: {  	[smem:$0x3FAF] =	sst s1  }
0xa: {  	[smem:$0x3FB0] =	sst s2  }
0xb: {  	[smem:$0x3FB1] =	sst s3  }
0xc: {  	[smem:$0x3FB2] =	sst s4  }
0xd: {  	[smem:$0x3FB3] =	sst s5  }
0xe: {  	[smem:$0x3FB4] =	sst s6  }
0xf: {  	[smem:$0x3FB5] =	sst s7  }
0x10: {  	[smem:$0x3FB6] =	sst s8  }
0x11: {  	[smem:$0x3FB7] =	sst s9;
	s0 =	simm.s32 @!p0 $0x0  }
0x12: {  	s1 =	sld [smem:$0x3F9D];
	s0 =	simm.s32 @p0 $0x1  }
0x13: {  	[smem:$0x3FB8] =	sst s0;
	s0 =	simm.s32 @!p1 $0x0  }
0x14: {  	s2 =	sld [smem:$0x3F9C];
	s0 =	simm.s32 @p1 $0x1  }
0x15: {  	[smem:$0x3FB9] =	sst s0;
	s0 =	simm.s32 @!p2 $0x0  }
0x16: {  	s3 =	sld [smem:$0x3FDB];
	s0 =	simm.s32 @p2 $0x1  }
0x17: {  	s4 =	simm.s32 $0x1BF5;
	[smem:$0x3FBB] =	sst s0  }
0x18: {  	s0 =	sld [smem:$0x3F9E];
	_ =	swait.ge [sflag:s4], $0x0  }
0x19: {  	s7 =	sld [smem:$0x3F9F]  }
0x1a: {  	s8 =	sadd.s32 $0xFFFFE003, lr  }
0x1b: {  	s9 =	sadd.s32 $0xFFFFFEF7, lr;
	s5 =	simm.s32 $0xFFFFFFFF;
	p2 =	slt.u32 s8, $0xFFFFF086  }
0x1c: {  	p1 =	slt.u32 s9, $0xF7A;
	s5 =	simm.s32 @!p2 $0x0  }
0x1d: {  	s5 =	simm.s32 @p1 $0x1;
	p0 =	seq.s32 s7, s2  }
0x1e: {  	s7 =	smul.u32 @!p0 $0xF7A, s2;
	p2 =	seq.s32 @!p0 s5, $0x0  }
0x1f: {  	s9 =	smul.u32 $0xF7A, s1;
	s8 =	simm.s32 @!p0 $0x1BF5;
	p2 =	por !p2, p0  }
0x20: {  	[sflag:s8] =	ssyncset.s32 @!p0 $0xFFFFF086;
	s6 =	sadd.s32 @!p0 s3, s7;
	s7 =	simm.s32 @!p0 $0x108  }
0x21: {  	s3 =	sadd.s32 s3, s9;
	s6 =	sadd.s32 @!p0 $0x88, s6;
	s7 =	simm.s32 @p2 $0x1082  }
0x22: {  	[simem:s7], [sflag:s8] =	dma.local @!p0 [hbm:s6], $0xF7A  }
0x23: {  	s9 =	sor.u32 $0xD0000000, s2;
	s6 =	simm.s32 $0x108;
	_ =	swait.ge @!p0 [sflag:s8], $0x0  }
0x24: {  	s3 =	sadd.s32 $0x88, s3;
	s6 =	simm.s32 @!p1 $0x1082;
	[sflag:s4] =	ssyncset.s32 $0xFFFFF086  }
0x25: {  	[simem:s6], [sflag:s4] =	dma.local [hbm:s3], $0xF7A  }
0x26: {  	[smem:$0x3F9F] =	sst s1;
	(tag) =	ssettag s2;
	_ =	strace s9  }
0x27: {  	s1 =	sld [smem:$0x3FAF]  }
0x28: {  	s2 =	sld [smem:$0x3FB0]  }
0x29: {  	s4 =	sld [smem:$0x3FB2]  }
0x2a: {  	p0 =	seq.s32 s5, $0x0;
	s5 =	sld [smem:$0x3FB3]  }
0x2b: {  	s6 =	sld [smem:$0x3FB4]  }
0x2c: {  	s7 =	sld [smem:$0x3FB5]  }
0x2d: {  	s3 =	simm.s32 $0x108;
	s8 =	sld [smem:$0x3FB6]  }
0x2e: {  	s3 =	simm.s32 @!p0 $0x1082;
	s9 =	sld [smem:$0x3FB7]  }
0x2f: {  	lr =	sadd.s32 s0, s3;
	s0 =	sld [smem:$0x3FAE]  }
0x30: {  	s3 =	sld [smem:$0x3FB1]  }
0x31: {  	[smem:$0x3FBA] =	sst s10  }
0x32: {  	s10 =	sld [smem:$0x3FB8];
	_ =	sdelay $0x3  }
0x33: {  	p0 =	seq.s32 s10, $0x1;
	s10 =	sld [smem:$0x3FBA];
	_ =	sdelay $0x3  }
0x34: {  	[smem:$0x3FBA] =	sst s10  }
0x35: {  	s10 =	sld [smem:$0x3FB9];
	_ =	sdelay $0x3  }
0x36: {  	p1 =	seq.s32 s10, $0x1;
	s10 =	sld [smem:$0x3FBA];
	_ =	sdelay $0x3  }
0x37: {  	[smem:$0x3FBA] =	sst s10  }
0x38: {  	s10 =	sld [smem:$0x3FBB]  }
0x39: {  	_ = 	snop;
	(pc) =	sbr.ind lr, $3  }
0x3a: {  	_ = 	snop  }
0x3b: {  	_ = 	snop  }
0x3c: {  	p2 =	seq.s32 s10, $0x1;
	s10 =	sld [smem:$0x3FBA]  }
0x3d: {  	_ =	shalt  }
0x3e: {  	_ =	shalt  }
0x3f: {  	_ =	shalt  }
0x40: {  	_ =	shalt  }
0x41: {  	_ =	shalt  }
0x42: {  	_ =	shalt  }
0x43: {  	_ =	shalt  }
0x44: {  	_ =	shalt  }
0x45: {  	_ =	shalt  }
0x46: {  	_ =	shalt  }
0x47: {  	_ =	shalt  }
0x48: {  	_ =	shalt  }
0x49: {  	_ =	shalt  }
0x4a: {  	_ =	shalt  }
0x4b: {  	_ =	shalt  }
0x4c: {  	_ =	shalt  }
0x4d: {  	_ =	shalt  }
0x4e: {  	_ =	shalt  }
0x4f: {  	_ =	shalt  }
0x50: {  	_ =	shalt  }
0x51: {  	_ =	shalt  }
0x52: {  	_ =	shalt  }
0x53: {  	_ =	shalt  }
0x54: {  	_ =	shalt  }
0x55: {  	_ =	shalt  }
0x56: {  	_ =	shalt  }
0x57: {  	_ =	shalt  }
0x58: {  	_ =	shalt  }
0x59: {  	_ =	shalt  }
0x5a: {  	_ =	shalt  }
0x5b: {  	_ =	shalt  }
0x5c: {  	_ =	shalt  }
0x5d: {  	_ =	shalt  }
0x5e: {  	_ =	shalt  }
0x5f: {  	_ =	shalt  }
0x60: {  	_ =	shalt  }
0x61: {  	_ =	shalt  }
0x62: {  	_ =	shalt  }
0x63: {  	_ =	shalt  }
0x64: {  	_ =	shalt  }
0x65: {  	_ =	shalt  }
0x66: {  	_ =	shalt  }
0x67: {  	_ =	shalt  }
0x68: {  	_ =	shalt  }
0x69: {  	_ =	shalt  }
0x6a: {  	_ =	shalt  }
0x6b: {  	_ =	shalt  }
0x6c: {  	_ =	shalt  }
0x6d: {  	_ =	shalt  }
0x6e: {  	_ =	shalt  }
0x6f: {  	_ =	shalt  }
0x70: {  	_ =	shalt  }
0x71: {  	_ =	shalt  }
0x72: {  	_ =	shalt  }
0x73: {  	_ =	shalt  }
0x74: {  	_ =	shalt  }
0x75: {  	_ =	shalt  }
0x76: {  	_ =	shalt  }
0x77: {  	_ =	shalt  }
0x78: {  	_ =	shalt  }
0x79: {  	_ =	shalt  }
0x7a: {  	_ =	shalt  }
0x7b: {  	_ =	shalt  }
0x7c: {  	_ =	shalt  }
0x7d: {  	_ =	shalt  }
0x7e: {  	_ =	shalt  }
0x7f: {  	_ =	shalt  }
0x80: {  	_ =	shalt  }
0x81: {  	_ =	shalt  }
0x82: {  	_ =	shalt  }
0x83: {  	_ =	shalt  }
0x84: {  	_ =	shalt  }
0x85: {  	_ =	shalt  }
0x86: {  	_ =	shalt  }
0x87: {  	_ =	shalt  }
.Lfunc_end0:
.L_simem_size_0:
called_computation.1_lowered:
.L_overlay_start_0:
0x88: {  	s2 =	sld [smem:$0x3FD9]  }
0x89: {  	s3 =	sld [smem:$0x3FFE];
	_ =	sdelay $0x1  }
0x8a: {  	s1 =	srdreg.scid  }
0x8b: {  	s0 =	sand.u32 $0x1, s1  }
0x8c: {  	s17 =	sshll.u32 s0, $0xA;
	s2 =	sadd.s32 s3, s2  }
0x8d: {  	s2 =	sadd.s32 s2, s17  }
0x8e: {  	[smem:$0x3FC6] =	sst s2  }
0x8f: {  	_ = 	snop  }
0x90: {  	s2 =	sld [smem:$0x3FD0];
	(tm) =	ssettm $0x1  }
0x91: {  	s18 =	sld [smem:$0x3FFB];
	_ =	sdelay $0x3  }
0x92: {  	_ =	strace s18  }
0x93: {  	s3 =	sld [smem:$0x3FFC];
	_ =	sdelay $0x3  }
0x94: {  	_ =	strace s3  }
0x95: {  	s3 =	sld [smem:$0x3FFD];
	_ =	sdelay $0x3  }
0x96: {  	_ =	strace s3  }
0x97: {  	_ =	strace $0x8FFFFFFF  }
0x98: {  	s19 =	sld [smem:$0x3FDB];
	_ =	sdelay $0x1  }
0x99: {  	s4 =	simm.s32 $_scs_section_size  }
0x9a: {  	s5 =	simm.s32 $_size__tile_overlayer_lowered;
	s6 =	simm.s32 $_tile_overlayer_lowered  }
0x9b: {  	s22 =	simm.s32 $0x1BFF;
	s21 =	sshll.u32 s6, $0x1;
	s3 =	sadd.s32 s4, s19  }
0x9c: {  	s7 =	simm.s32 $0x0;
	s20 =	sshll.u32 s5, $0x1;
	s5 =	sadd.s32 s21, s3  }
0x9d: {  	[timem:s7], [sflag:s22] =	dma.local [hbm:s5], s20  }
0x9e: {  	_ =	swait.ge [sflag:s22], s20  }
0x9f: {  	s4 =	ssub.s32 $0x0, s20;
	[sflag:s22] =	ssyncset.done $0x0  }
0xa0: {  	[sflag:s22] =	ssyncadd.s32 s4;
	_ =	sdelay $0x1  }
0xa1: {  	s23 =	simm.s32 $0x1B8B  }
0xa2: {  	_ =	swait.ge [sflag:s23], $0x1  }
0xa3: {  	[sflag:s23] =	ssyncset.done $0x0  }
0xa4: {  	s25 =	simm.s32 $0x1B8E;
	s24 =	sld [smem:$0x3FFE];
	[sflag:s23] =	ssyncadd.s32 $0xFFFFFFFF  }
0xa5: {  	s26 =	simm.s32 $execute0_lowered;
	[smem:$0x3FD2] =	sst s25  }
0xa6: {  	s5 =	sshll.u32 s26, $0x1;
	_ =	strace $0x80000046;
	[dreg:$0x1] =	wrdreg $0xFFFFFFFF  }
0xa7: {  	s28 =	simm.s32 $_size_execute0_lowered;
	s3 =	sadd.s32 s3, s5;
	[dreg:$0x0] =	wrdreg $0x0  }
0xa8: {  	s5 =	sshll.u32 s28, $0x1;
	[dreg:$0x2] =	wrdreg s3  }
0xa9: {  	[dreg:$0x3] =	wrdreg s5  }
0xaa: {  	[dreg:$0x4] =	wrdreg $0xC0  }
0xab: {  	_ =	task [dreg:s7], $0x5FFFF  }
0xac: {  	[dreg:$0x1] =	wrdreg $0xFFFFFFFF  }
0xad: {  	[dreg:$0x0] =	wrdreg $0x60  }
0xae: {  	[dreg:$0x2] =	wrdreg s24  }
0xaf: {  	[dreg:$0x3] =	wrdreg s2  }
0xb0: {  	[dreg:$0x4] =	wrdreg $0x9  }
0xb1: {  	_ =	task.clear_ibuf [dreg:s7], $0x5FFFF;
	_ =	strace $0x90000046  }
0xb2: {  	s29 =	simm.s32 $0x9;
	_ =	strace $0x80000048  }
0xb3: {  	_ =	swait.ge [sflag:s29], $0x1  }
0xb4: {  	[sflag:s29] =	ssyncadd.s32 $0xFFFFFFFF  }
0xb5: {  	_ =	strace $0x90000048  }
0xb6: {  	_ =	sfence  }
0xb7: {  	s30 =	sld [smem:$0x0];
	_ =	sdelay $0x2  }
0xb8: {  	s31 =	sshll.u32 s1, $0xD;
	s1 =	sshrl.u32 s1, $0x2  }
0xb9: {  	s3 =	sand.u32 $0x4000, s31;
	s1 =	sadd.s32 s1, s30  }
0xba: {  	s0 =	sor.u32 s3, s0;
	s1 =	sshll.u32 s1, $0x11  }
0xbb: {  	s0 =	sor.u32 s1, s0  }
0xbc: {  	s0 =	sadd.s32 $0x8F2B, s0  }
0xbd: {  	[sflag:s0] =	ssyncadd.remote.s32 $0x1  }
0xbe: {  	_ =	sfence.sel $0xFFFF  }
0xbf: {  	[dreg:$0x0] =	wrdreg $0xFFFFFFFF;
	(pc) =	sbr.abs _section_cstart, $3  }
0xc0: {  	[dreg:$0x1] =	wrdreg $0xFFFFFFFF  }
0xc1: {  	_ =	task.clear_ibuf [dreg:s7], $0x2FFFF;
	_ =	strace $0x9FFFFFFF  }
0xc2: {  	(tm) =	ssettm $0x7FFFFFFF  }
0xc3: {  	_ =	shalt  }
tec
execute0_lowered:
.L_overlay_start_1:
0x0: {  	(tag) =	ssettag $0x1  }
0x1: {  	s0 =	rddreg [dreg:$0x0]  }
0x2: {  	s1 =	srdreg.scid;
	s2 =	rddreg [dreg:$0x1]  }
0x3: {  	s3 =	stileid.u32;
	s11 =	simm.s32 $0x80;
	s12 =	simm.s32 $0x6400  }
0x4: {  	s13 =	simm.s32 $0x7400;
	s15 =	simm.s32 $0x8400;
	s16 =	simm.s32 $0x9400  }
0x5: {  	s17 =	simm.s32 $0x2;
	s18 =	simm.s32 $0xA400;
	s19 =	simm.s32 $0x3  }
0x6: {  	s20 =	simm.s32 $0x4;
	s21 =	simm.s32 $0x5;
	s1 =	sand.u32 $0x1, s1  }
0x7: {  	s4 =	sshll.u32 s3, $0xA;
	s5 =	sshll.u32 s1, $0x9;
	s1 =	ssub.s32 $0x2, s1  }
0x8: {  	s22 =	simm.s32 $0x6;
	s4 =	sor.u32 s5, s4;
	s6 =	sshrl.u32 s1, $0x1  }
0x9: {  	s3 =	simm.s32 $0x0;
	s5 =	sshrl.u32 s4, $0x3;
	s1 =	ssub.s32 s1, s6  }
0xa: {  	[smem:$0x7FF] =	sst s3;
	s7 =	sadd.s32 s5, s0;
	s31 =	smax.u32 s1, $0x1  }
0xb: {  	_ =	strace $0x80000047;
	s30 =	sadd.s32 $0xA00, s7;
	[dreg:$0x4] =	wrdreg s31  }
0xc: {  	s6 =	simm.s32 $0x0;
	s5 =	sadd.s32 $0xF42E00, s0;
	[dreg:$0x3] =	wrdreg s30  }
.LBB2_1:
0xd: {  	[dreg:$0x5] =	wrdreg s6  }
0xe: {  	s0 =	rddreg [dreg:$0x3]  }
0xf: {  	s1 =	simm.s32 $0x200;
	s9 =	simm.s32 $0x4000;
	s10 =	simm.s32 $0x1  }
0x10: {  	s14 =	simm.s32 $0x100;
	s30 =	simm.s32 $0x600;
	s23 =	simm.s32 $0x180  }
0x11: {  	p0 =	por $0x1, $0x1;
	s7 =	simm.s32 $0x800;
	s25 =	sand.u32 $0x180, s3  }
0x12: {  	[tilespmem:s3], [sflag:$0x1] =	stream.strided.gather [hbm4b:s0+s1], $0x6400, s9, s1, $0x38;
	[tilespmem:$0xB400] =	vst v63  }
0x13: {  	s29 =	simm.s32 $0x100;
	s0 =	simm.s32 $0x380;
	s1 =	simm.s32 $0xE00  }
0x14: {  	s8 =	simm.s32 @!p0 $0xA;
	s9 =	simm.s32 $0x600;
	_ =	swait.ge [sflag:s10], $0x6400  }
0x15: {  	s6 =	sand.u32 $0x180, s23;
	s26 =	sor.u32 s4, s25;
	[sflag:s10] =	ssyncset.done $0x0  }
0x16: {  	s7 =	sand.u32 $0x7F800, s7;
	s9 =	sand.u32 $0x7F800, s9;
	[sflag:s10] =	ssyncadd.s32 $0xFFFF9C00  }
0x17: {  	[tilespmem:s12], [sflag:$0x2] =	stream.indirect.gather [hbm4b:s5+s11], $0x20, s3, s11, $0xb8;
	[tilespmem:$0xB400] =	vst v63  }
0x18: {  	s31 =	sshll.u32 s26, $0x2;
	s7 =	sshrl.u32 s7, $0x2;
	s9 =	sshrl.u32 s9, $0x2  }
0x19: {  	[tilespmem:s13], [sflag:$0x3] =	stream.indirect.gather [hbm4b:s5+s11], $0x20, s11, s11, $0xb8;
	[tilespmem:$0xB400] =	vst v63  }
0x1a: {  	s7 =	sor.u32 s25, s7;
	s25 =	simm.s32 $0x4000;
	s10 =	simm.s32 $0x8000  }
0x1b: {  	[tilespmem:s15], [sflag:$0x4] =	stream.indirect.gather [hbm4b:s5+s11], $0x20, s14, s11, $0xb8;
	[tilespmem:$0xB400] =	vst v63  }
0x1c: {  	s24 =	sor.u32 s6, s9;
	s28 =	sand.u32 $0xFF0000, s10;
	_ =	swait.ge @!p0 [sflag:s8], $0x1000  }
0x1d: {  	s10 =	sand.u32 $0x180, s29;
	s29 =	sor.u32 s4, s6;
	[sflag:s8] =	ssyncset.done @!p0 $0x0  }
0x1e: {  	s23 =	sor.u32 s4, s10;
	s14 =	sand.u32 $0x7F0000, s3;
	[sflag:s8] =	ssyncadd.s32 @!p0 $0xFFFFF000  }
0x1f: {  	[tilespmem:s16], [sflag:$0x5] =	stream.indirect.gather [hbm4b:s5+s11], $0x20, s24, s11, $0xb8;
	[tilespmem:$0xB400] =	vst v63  }
0x20: {  	s9 =	sshll.u32 s23, $0x2;
	s14 =	sadd.s32 s2, s14;
	s24 =	simm.s32 $0x80  }
0x21: {  	s8 =	sadd.s32 s31, s14;
	_ =	swait.ge [sflag:s17], $0x1000;
	s10 =	sand.u32 $0x180, s24  }
0x22: {  	s14 =	simm.s32 @!p0 $0xB;
	[sflag:s17] =	ssyncset.done $0x0;
	s26 =	sor.u32 s4, s10  }
0x23: {  	[sflag:s17] =	ssyncadd.s32 $0xFFFFF000;
	s24 =	sshll.u32 s26, $0x2;
	s26 =	sshll.u32 s29, $0x2  }
0x24: {  	[hbm4b:s8+s3] =	stream.linear.scatter [tilespmem:s12], [sflag:$0x7], $0x1000, $0x38;
	[tilespmem:$0xB400] =	vst v63  }
0x25: {  	s29 =	simm.s32 $0x10000;
	s8 =	sadd.s32 s2, s28;
	_ =	swait.ge @!p0 [sflag:s14], $0x1000  }
0x26: {  	s28 =	sand.u32 $0xFF0000, s25;
	s25 =	simm.s32 $0xC000;
	[sflag:s14] =	ssyncset.done @!p0 $0x0  }
0x27: {  	s8 =	sadd.s32 s9, s8;
	s23 =	sadd.s32 s2, s28;
	[sflag:s14] =	ssyncadd.s32 @!p0 $0xFFFFF000  }
0x28: {  	[tilespmem:s18], [sflag:$0x6] =	stream.indirect.gather [hbm4b:s5+s11], $0x20, s7, s11, $0xb8;
	[tilespmem:$0xB400] =	vst v63  }
0x29: {  	s28 =	sand.u32 $0xFF0000, s25;
	p0 =	por $0x0, $0x0;
	_ =	swait.ge [sflag:s19], $0x1000  }
0x2a: {  	s6 =	sadd.s32 s24, s23;
	s9 =	simm.s32 @!p0 $0xA00;
	[sflag:s19] =	ssyncset.done $0x0  }
0x2b: {  	s10 =	simm.s32 @!p0 $0x7;
	s7 =	simm.s32 @!p0 $0x280;
	[sflag:s19] =	ssyncadd.s32 $0xFFFFF000  }
0x2c: {  	[hbm4b:s6+s3] =	stream.linear.scatter [tilespmem:s13], [sflag:$0x8], $0x1000, $0x38;
	[tilespmem:$0xB400] =	vst v63  }
0x2d: {  	s9 =	sand.u32 @!p0 $0x7F800, s9;
	s7 =	sand.u32 @!p0 $0x180, s7;
	_ =	swait.ge @!p0 [sflag:s10], $0x1000  }
0x2e: {  	s6 =	sshrl.u32 @!p0 s9, $0x2;
	s9 =	simm.s32 @!p0 $0x6400;
	[sflag:s10] =	ssyncset.done @!p0 $0x0  }
0x2f: {  	s7 =	sor.u32 @!p0 s7, s6;
	s6 =	simm.s32 @!p0 $0x80;
	[sflag:s10] =	ssyncadd.s32 @!p0 $0xFFFFF000  }
0x30: {  	[tilespmem:s9], [sflag:$0x2] =	stream.indirect.gather @!p0 [hbm4b:s5+s6], $0x20, s7, s6, $0xb8;
	[tilespmem:$0xB400] =	vst v63  }
0x31: {  	s23 =	simm.s32 @!p0 $0xC00;
	s1 =	sand.u32 @!p0 $0x7F800, s1;
	_ =	swait.ge [sflag:s20], $0x1000  }
0x32: {  	s0 =	sand.u32 @!p0 $0x180, s0;
	s10 =	simm.s32 @!p0 $0x8;
	[sflag:s20] =	ssyncset.done $0x0  }
0x33: {  	s7 =	simm.s32 @!p0 $0x300;
	s9 =	sand.u32 @!p0 $0x7F800, s23;
	[sflag:s20] =	ssyncadd.s32 $0xFFFFF000  }
0x34: {  	[hbm4b:s8+s3] =	stream.linear.scatter [tilespmem:s15], [sflag:$0x9], $0x1000, $0x38;
	[tilespmem:$0xB400] =	vst v63  }
0x35: {  	s9 =	sshrl.u32 @!p0 s9, $0x2;
	s7 =	sand.u32 @!p0 $0x180, s7;
	_ =	swait.ge @!p0 [sflag:s10], $0x1000  }
0x36: {  	s1 =	sshrl.u32 @!p0 s1, $0x2;
	s8 =	sor.u32 @!p0 s7, s9;
	[sflag:s10] =	ssyncset.done @!p0 $0x0  }
0x37: {  	s7 =	sor.u32 @!p0 s0, s1;
	s0 =	simm.s32 @!p0 $0x7400;
	[sflag:s10] =	ssyncadd.s32 @!p0 $0xFFFFF000  }
0x38: {  	[tilespmem:s0], [sflag:$0x3] =	stream.indirect.gather @!p0 [hbm4b:s5+s6], $0x20, s8, s6, $0xb8;
	[tilespmem:$0xB400] =	vst v63  }
0x39: {  	s23 =	simm.s32 @!p0 $0x9;
	s1 =	sadd.s32 s2, s28;
	_ =	swait.ge [sflag:s21], $0x1000  }
0x3a: {  	s9 =	sand.u32 $0xFF0000, s29;
	s1 =	sadd.s32 s26, s1;
	[sflag:s21] =	ssyncset.done $0x0  }
0x3b: {  	s10 =	simm.s32 @!p0 $0x8400;
	s0 =	simm.s32 $0x80;
	[sflag:s21] =	ssyncadd.s32 $0xFFFFF000  }
0x3c: {  	[hbm4b:s1+s3] =	stream.linear.scatter [tilespmem:s16], [sflag:$0xA], $0x1000, $0x38;
	[tilespmem:$0xB400] =	vst v63  }
0x3d: {  	s8 =	simm.s32 $0x1800;
	s1 =	simm.s32 $0x14000;
	_ =	swait.ge @!p0 [sflag:s23], $0x1000  }
.LBB2_2:
0x3e: {  	[sflag:s23] =	ssyncset.done @!p0 $0x0;
	s24 =	sadd.s32 s2, s9  }
0x3f: {  	s14 =	smov.u32 s30;
	s30 =	sadd.s32 $0x280, s30;
	s9 =	smov.u32 s1  }
0x40: {  	p1 =	sne.s32 s30, $0x6780;
	[sflag:s23] =	ssyncadd.s32 @!p0 $0xFFFFF000;
	s23 =	sadd.s32 s31, s24  }
0x41: {  	[tilespmem:s10], [sflag:$0x4] =	stream.indirect.gather @!p0 [hbm4b:s5+s6], $0x20, s7, s6, $0xb8;
	[tilespmem:$0xB400] =	vst v63  }
0x42: {  	s6 =	sadd.s32 $0xFFFFFE00, s14;
	s7 =	sadd.s32 $0xFFFFFA00, s8;
	_ =	swait.ge [sflag:s22], $0x1000  }
0x43: {  	p0 =	seq.s32 s14, $0x380;
	s10 =	sadd.s32 $0x8000, s1;
	[sflag:s22] =	ssyncset.done $0x0  }
0x44: {  	s31 =	sadd.s32 $0xFFFFF800, s8;
	s24 =	simm.s32 @!p0 $0xA;
	[sflag:s22] =	ssyncadd.s32 $0xFFFFF000  }
0x45: {  	[hbm4b:s23+s3] =	stream.linear.scatter [tilespmem:s18], [sflag:$0xB], $0x1000, $0x38;
	[tilespmem:$0xB400] =	vst v63  }
0x46: {  	s10 =	sand.u32 $0xFF0000, s10;
	s23 =	sand.u32 $0x7F800, s31;
	_ =	swait.ge @!p0 [sflag:s24], $0x1000  }
0x47: {  	s6 =	sand.u32 $0x180, s6;
	s23 =	sshrl.u32 s23, $0x2;
	[sflag:s24] =	ssyncset.done @!p0 $0x0  }
0x48: {  	s23 =	sor.u32 s6, s23;
	[sflag:s24] =	ssyncadd.s32 @!p0 $0xFFFFF000;
	s24 =	sand.u32 $0x180, s0  }
0x49: {  	[tilespmem:s16], [sflag:$0x5] =	stream.indirect.gather [hbm4b:s5+s11], $0x20, s23, s11, $0xb8;
	[tilespmem:$0xB400] =	vst v63  }
0x4a: {  	s31 =	sand.u32 $0x7F0000, s1;
	s23 =	sor.u32 s4, s24;
	_ =	swait.ge [sflag:s17], $0x1000  }
0x4b: {  	s25 =	sadd.s32 s2, s31;
	s31 =	sshll.u32 s23, $0x2;
	[sflag:s17] =	ssyncset.done $0x0  }
0x4c: {  	s23 =	sadd.s32 s31, s25;
	s25 =	simm.s32 @!p0 $0xB;
	[sflag:s17] =	ssyncadd.s32 $0xFFFFF000  }
0x4d: {  	[hbm4b:s23+s3] =	stream.linear.scatter [tilespmem:s12], [sflag:$0x7], $0x1000, $0x38;
	[tilespmem:$0xB400] =	vst v63  }
0x4e: {  	s7 =	sand.u32 $0x7F800, s7;
	s23 =	sadd.s32 $0xFFFFFD80, s14;
	_ =	swait.ge @!p0 [sflag:s25], $0x1000  }
0x4f: {  	s7 =	sshrl.u32 s7, $0x2;
	s23 =	sand.u32 $0x180, s23;
	[sflag:s25] =	ssyncset.done @!p0 $0x0  }
0x50: {  	s7 =	sor.u32 s24, s7;
	s23 =	sor.u32 s4, s23;
	[sflag:s25] =	ssyncadd.s32 @!p0 $0xFFFFF000  }
0x51: {  	s10 =	sadd.s32 s2, s10;
	s24 =	sadd.s32 $0xFFFFFD00, s14;
	s23 =	sshll.u32 s23, $0x2  }
0x52: {  	s24 =	sand.u32 $0x180, s24;
	s25 =	sadd.s32 $0x4000, s1;
	s23 =	sadd.s32 s23, s10  }
0x53: {  	s10 =	sor.u32 s4, s24;
	s24 =	sand.u32 $0xFF0000, s25;
	s25 =	sor.u32 s4, s6  }
0x54: {  	p0 =	seq.s32 s14, $0x6500;
	s6 =	sadd.s32 s2, s24;
	s10 =	sshll.u32 s10, $0x2  }
0x55: {  	s26 =	sadd.s32 @!p0 $0xFFFFFC00, s8;
	s28 =	simm.s32 @!p0 $0x6400;
	s24 =	simm.s32 @!p0 $0x7  }
0x56: {  	[tilespmem:s18], [sflag:$0x6] =	stream.indirect.gather [hbm4b:s5+s11], $0x20, s7, s11, $0xb8;
	[tilespmem:$0xB400] =	vst v63  }
0x57: {  	s7 =	sand.u32 @!p0 $0x7F800, s26;
	s26 =	sadd.s32 @!p0 $0xFFFFFF00, s14;
	_ =	swait.ge [sflag:s19], $0x1000  }
0x58: {  	s6 =	sadd.s32 s10, s6;
	s7 =	sshrl.u32 @!p0 s7, $0x2;
	[sflag:s19] =	ssyncset.done $0x0  }
0x59: {  	s29 =	sadd.s32 @!p0 $0xFFFFFF80, s14;
	s10 =	sadd.s32 @!p0 $0xFFFFFE00, s8;
	[sflag:s19] =	ssyncadd.s32 $0xFFFFF000  }
0x5a: {  	[hbm4b:s6+s3] =	stream.linear.scatter [tilespmem:s13], [sflag:$0x8], $0x1000, $0x38;
	[tilespmem:$0xB400] =	vst v63  }
0x5b: {  	s10 =	sand.u32 @!p0 $0x7F800, s10;
	s6 =	sand.u32 @!p0 $0x180, s26;
	_ =	swait.ge @!p0 [sflag:s24], $0x1000  }
0x5c: {  	s10 =	sshrl.u32 @!p0 s10, $0x2;
	s26 =	sand.u32 @!p0 $0x7F800, s8;
	s7 =	sor.u32 @!p0 s6, s7  }
0x5d: {  	s29 =	sand.u32 @!p0 $0x180, s29;
	s6 =	simm.s32 @!p0 $0x80;
	[sflag:s24] =	ssyncset.done @!p0 $0x0  }
0x5e: {  	s14 =	sand.u32 @!p0 $0x180, s14;
	[sflag:s24] =	ssyncadd.s32 @!p0 $0xFFFFF000;
	s24 =	sshrl.u32 @!p0 s26, $0x2  }
0x5f: {  	[tilespmem:s28], [sflag:$0x2] =	stream.indirect.gather @!p0 [hbm4b:s5+s6], $0x20, s7, s6, $0xb8;
	[tilespmem:$0xB400] =	vst v63  }
0x60: {  	s26 =	sor.u32 @!p0 s29, s10;
	s7 =	sor.u32 @!p0 s14, s24;
	_ =	swait.ge [sflag:s20], $0x1000  }
0x61: {  	s10 =	simm.s32 @!p0 $0x8400;
	s14 =	sshll.u32 s25, $0x2;
	[sflag:s20] =	ssyncset.done $0x0  }
0x62: {  	s24 =	simm.s32 @!p0 $0x8;
	[sflag:s20] =	ssyncadd.s32 $0xFFFFF000  }
0x63: {  	[hbm4b:s23+s3] =	stream.linear.scatter [tilespmem:s15], [sflag:$0x9], $0x1000, $0x38;
	[tilespmem:$0xB400] =	vst v63  }
0x64: {  	s23 =	simm.s32 @!p0 $0x7400;
	_ =	swait.ge @!p0 [sflag:s24], $0x1000  }
0x65: {  	s0 =	sadd.s32 $0x80, s0;
	[sflag:s24] =	ssyncset.done @!p0 $0x0  }
0x66: {  	[sflag:s24] =	ssyncadd.s32 @!p0 $0xFFFFF000;
	s24 =	sadd.s32 $0xC000, s1;
	s1 =	sadd.s32 $0x14000, s1  }
0x67: {  	[tilespmem:s23], [sflag:$0x3] =	stream.indirect.gather @!p0 [hbm4b:s5+s6], $0x20, s26, s6, $0xb8;
	[tilespmem:$0xB400] =	vst v63  }
.Ltmp0:
0x68: {  	s23 =	sand.u32 $0xFF0000, s24;
	_ =	swait.ge [sflag:s21], $0x1000;
	(pc) =	sbr.rel @p1 .LBB2_2-.Ltmp0, $4  }
0x69: {  	s9 =	sadd.s32 $0x10000, s9;
	s23 =	sadd.s32 s2, s23;
	[sflag:s21] =	ssyncset.done $0x0  }
0x6a: {  	s14 =	sadd.s32 s14, s23;
	s23 =	simm.s32 @!p0 $0x9;
	[sflag:s21] =	ssyncadd.s32 $0xFFFFF000  }
0x6b: {  	[hbm4b:s14+s3] =	stream.linear.scatter [tilespmem:s16], [sflag:$0xA], $0x1000, $0x38;
	[tilespmem:$0xB400] =	vst v63  }
0x6c: {  	s9 =	sand.u32 $0xFF0000, s9;
	s8 =	sadd.s32 $0xA00, s8;
	_ =	swait.ge @!p0 [sflag:s23], $0x1000  }
0x6d: {  	[sflag:s23] =	ssyncset.done @!p0 $0x0  }
0x6e: {  	[sflag:s23] =	ssyncadd.s32 @!p0 $0xFFFFF000  }
0x6f: {  	[tilespmem:s10], [sflag:$0x4] =	stream.indirect.gather @!p0 [hbm4b:s5+s6], $0x20, s7, s6, $0xb8;
	[tilespmem:$0xB400] =	vst v63  }
0x70: {  	_ =	swait.ge [sflag:s22], $0x1000  }
0x71: {  	s0 =	sadd.s32 s2, s9;
	[sflag:s22] =	ssyncset.done $0x0  }
0x72: {  	s25 =	simm.s32 $0x7;
	s0 =	sadd.s32 s31, s0;
	[sflag:s22] =	ssyncadd.s32 $0xFFFFF000  }
0x73: {  	[hbm4b:s0+s3] =	stream.linear.scatter [tilespmem:s18], [sflag:$0xB], $0x1000, $0x38;
	[tilespmem:$0xB400] =	vst v63  }
0x74: {  	_ =	swait.ge [sflag:s25], $0x1000  }
0x75: {  	[sflag:s25] =	ssyncset.done $0x0  }
0x76: {  	s26 =	simm.s32 $0x8;
	[sflag:s25] =	ssyncadd.s32 $0xFFFFF000  }
0x77: {  	_ =	swait.ge [sflag:s26], $0x1000  }
0x78: {  	[sflag:s26] =	ssyncset.done $0x0  }
0x79: {  	s28 =	simm.s32 $0x9;
	[sflag:s26] =	ssyncadd.s32 $0xFFFFF000  }
0x7a: {  	_ =	swait.ge [sflag:s28], $0x1000  }
0x7b: {  	[sflag:s28] =	ssyncset.done $0x0  }
0x7c: {  	s29 =	simm.s32 $0xA;
	[sflag:s28] =	ssyncadd.s32 $0xFFFFF000  }
0x7d: {  	_ =	swait.ge [sflag:s29], $0x1000  }
0x7e: {  	[sflag:s29] =	ssyncset.done $0x0  }
0x7f: {  	s1 =	simm.s32 $0xB;
	[sflag:s29] =	ssyncadd.s32 $0xFFFFF000  }
0x80: {  	_ =	swait.ge [sflag:s1], $0x1000  }
0x81: {  	s30 =	rddreg [dreg:$0x5]  }
0x82: {  	s31 =	rddreg [dreg:$0x4];
	s6 =	sadd.s32 $0x1, s30  }
0x83: {  	p0 =	sne.s32 s6, s31  }
.Ltmp1:
0x84: {  	_ = 	snop;
	(pc) =	sbr.rel @p0 .LBB2_1-.Ltmp1, $3  }
0x85: {  	_ =	sdelay $0x1  }
0x86: {  	[sflag:s1] =	ssyncset.done $0x0  }
0x87: {  	[sflag:s1] =	ssyncadd.s32 $0xFFFFF000  }
0x88: {  	_ =	sfence.sel $0x180000  }
0x89: {  	[bflag:$0x0] =	sbarrier.arrive $0xFFFF  }
0x8a: {  	_ =	strace $0x90000047  }
0x8b: {  	s0 =	stileid.u32;
	[bflag:$0x2] =	sbarrier.arrive $0xFFFF  }
0x8c: {  	p0 =	sne.s32 s0, $0x0;
	s0 =	rddreg [dreg:$0x2]  }
0x8d: {  	s0 =	sadd.s32 @!p0 $0x100000, s0  }
0x8e: {  	[sflag:s0] =	ssyncadd.tile.s32 @!p0 $0x1;
	_ =	shalt  }
.Lfunc_end2:
_tile_overlayer_lowered:
.L_overlay_start_2:
0x8f: {  	(tag) =	ssettag $0x2  }
0x90: {  	s0 =	rddreg [dreg:$0x0];
	s2 =	stileid.u32  }
0x91: {  	s1 =	rddreg [dreg:$0x1];
	p0 =	sne.s32 s2, $0x0  }
0x92: {  	s3 =	rddreg [dreg:$0x2];
	[bflag:$0x3] =	sbarrier.arrive $0xFFFF;
	s2 =	simm.s32 @!p0 $0x1C0C  }
0x93: {  	[timem:s3], [sflag:s2] =	dma.local @!p0 [hbm:s0], s1  }
0x94: {  	s0 =	simm.s32 @!p0 $0xC  }
0x95: {  	_ =	swait.ge @!p0 [sflag:s0], s1  }
0x96: {  	s1 =	ssub.s32 @!p0 $0x0, s1;
	[sflag:s0] =	ssyncset.done @!p0 $0x0  }
0x97: {  	[sflag:s0] =	ssyncadd.s32 @!p0 s1  }
0x98: {  	[bflag:$0x3] =	sbarrier.arrive $0xFFFF  }
0x99: {  	_ =	shalt  }

// kernel: sparse-core-data-format-call.cloned.1.call-start
scs
called_computation_lowered:
.L_overlay_start_0:
0x0: {  	s2 =	sld [smem:$0x3FD9]  }
0x1: {  	s3 =	sld [smem:$0x3FFE];
	_ =	sdelay $0x1  }
0x2: {  	s1 =	srdreg.scid  }
0x3: {  	s0 =	sand.u32 $0x1, s1  }
0x4: {  	s18 =	sshll.u32 s0, $0xA;
	s2 =	sadd.s32 s3, s2  }
0x5: {  	s2 =	sadd.s32 s2, s18  }
0x6: {  	[smem:$0x3FC6] =	sst s2  }
0x7: {  	_ = 	snop  }
0x8: {  	s2 =	sld [smem:$0x3FD0];
	(tm) =	ssettm $0x1  }
0x9: {  	s19 =	sld [smem:$0x3FFB];
	_ =	sdelay $0x3  }
0xa: {  	_ =	strace s19  }
0xb: {  	s3 =	sld [smem:$0x3FFC];
	_ =	sdelay $0x3  }
0xc: {  	_ =	strace s3  }
0xd: {  	s3 =	sld [smem:$0x3FFD];
	_ =	sdelay $0x3  }
0xe: {  	_ =	strace s3  }
0xf: {  	_ =	strace $0x8FFFFFFF  }
0x10: {  	s20 =	sld [smem:$0x3FDB];
	_ =	sdelay $0x1  }
0x11: {  	s4 =	simm.s32 $_scs_section_size  }
0x12: {  	s5 =	simm.s32 $_size__tile_overlayer_lowered;
	s6 =	simm.s32 $_tile_overlayer_lowered  }
0x13: {  	s23 =	simm.s32 $0x1BFF;
	s22 =	sshll.u32 s6, $0x1;
	s3 =	sadd.s32 s4, s20  }
0x14: {  	s7 =	simm.s32 $0x0;
	s21 =	sshll.u32 s5, $0x1;
	s5 =	sadd.s32 s22, s3  }
0x15: {  	[timem:s7], [sflag:s23] =	dma.local [hbm:s5], s21  }
0x16: {  	_ =	swait.ge [sflag:s23], s21  }
0x17: {  	s4 =	ssub.s32 $0x0, s21;
	[sflag:s23] =	ssyncset.done $0x0  }
0x18: {  	[sflag:s23] =	ssyncadd.s32 s4;
	_ =	sdelay $0x1  }
0x19: {  	s24 =	simm.s32 $0x1B8B  }
0x1a: {  	_ =	swait.ge [sflag:s24], $0x1  }
0x1b: {  	[sflag:s24] =	ssyncset.done $0x0  }
0x1c: {  	s26 =	simm.s32 $0x1B8E;
	s25 =	sld [smem:$0x3FFE];
	[sflag:s24] =	ssyncadd.s32 $0xFFFFFFFF  }
0x1d: {  	s27 =	simm.s32 $execute0_lowered;
	[smem:$0x3FD2] =	sst s26  }
0x1e: {  	s5 =	sshll.u32 s27, $0x1;
	_ =	strace $0x80000049;
	[dreg:$0x1] =	wrdreg $0xFFFFFFFF  }
0x1f: {  	s28 =	simm.s32 $_size_execute0_lowered;
	s3 =	sadd.s32 s3, s5;
	[dreg:$0x0] =	wrdreg $0x0  }
0x20: {  	s5 =	sshll.u32 s28, $0x1;
	[dreg:$0x2] =	wrdreg s3  }
0x21: {  	[dreg:$0x3] =	wrdreg s5  }
0x22: {  	[dreg:$0x4] =	wrdreg $0xC0  }
0x23: {  	_ =	task [dreg:s7], $0x5FFFF  }
0x24: {  	[dreg:$0x1] =	wrdreg $0xFFFFFFFF  }
0x25: {  	[dreg:$0x0] =	wrdreg $0x60  }
0x26: {  	[dreg:$0x2] =	wrdreg s25  }
0x27: {  	[dreg:$0x3] =	wrdreg s2  }
0x28: {  	[dreg:$0x4] =	wrdreg $0x9  }
0x29: {  	_ =	task.clear_ibuf [dreg:s7], $0x5FFFF;
	_ =	strace $0x90000049  }
0x2a: {  	s29 =	simm.s32 $0x9;
	_ =	strace $0x8000004B  }
0x2b: {  	_ =	swait.ge [sflag:s29], $0x1  }
0x2c: {  	[sflag:s29] =	ssyncadd.s32 $0xFFFFFFFF  }
0x2d: {  	_ =	strace $0x9000004B  }
0x2e: {  	_ =	sfence  }
0x2f: {  	s30 =	sld [smem:$0x0];
	_ =	sdelay $0x2  }
0x30: {  	s31 =	sshll.u32 s1, $0xD;
	s1 =	sshrl.u32 s1, $0x2  }
0x31: {  	s3 =	sand.u32 $0x4000, s31;
	s1 =	sadd.s32 s1, s30  }
0x32: {  	s0 =	sor.u32 s3, s0;
	s1 =	sshll.u32 s1, $0x11  }
0x33: {  	s0 =	sor.u32 s1, s0  }
0x34: {  	s0 =	sadd.s32 $0x8F2B, s0  }
0x35: {  	[sflag:s0] =	ssyncadd.remote.s32 $0x1  }
0x36: {  	_ =	sfence.sel $0xFFFF  }
0x37: {  	[dreg:$0x0] =	wrdreg $0xFFFFFFFF;
	(pc) =	sbr.abs _section_cstart, $3  }
0x38: {  	[dreg:$0x1] =	wrdreg $0xFFFFFFFF  }
0x39: {  	_ =	task.clear_ibuf [dreg:s7], $0x2FFFF;
	_ =	strace $0x9FFFFFFF  }
0x3a: {  	(tm) =	ssettm $0x7FFFFFFF  }
0x3b: {  	_ =	shalt  }
tec
execute0_lowered:
.L_overlay_start_1:
0x0: {  	(tag) =	ssettag $0x1  }
0x1: {  	s0 =	srdreg.scid  }
0x2: {  	s1 =	sshll.u32 s0, $0x4  }
0x3: {  	s0 =	stileid.u32;
	s1 =	sand.u32 $0x10, s1  }
0x4: {  	s7 =	rddreg [dreg:$0x0];
	s1 =	sor.u32 s0, s1  }
0x5: {  	s4 =	simm.s32 $0x1;
	s8 =	simm.s32 $0x2;
	s2 =	sshll.u32 s1, $0x7  }
0x6: {  	s13 =	simm.s32 $0x0;
	s9 =	simm.s32 $0x20000;
	s1 =	ssub.s32 $0x4000, s2  }
0x7: {  	s14 =	simm.s32 $0x0;
	s11 =	simm.s32 $0x0;
	s3 =	sand.u32 $0xF80, s1  }
0x8: {  	s12 =	simm.s32 $0x0;
	s5 =	sshrl.u32 s1, $0xC;
	p0 =	sne.s32 s3, $0x0  }
.Ltmp0:
0x9: {  	s1 =	rddreg [dreg:$0x2];
	s4 =	simm.s32 @!p0 $0x0;
	(pc) =	sbr.rel .LBB1_1-.Ltmp0, $4  }
0xa: {  	s6 =	sadd.s32 $0xA00, s7;
	s3 =	rddreg [dreg:$0x1];
	s5 =	sadd.s32 s4, s5  }
0xb: {  	_ =	strace $0x8000004A;
	s4 =	simm.s32 $0x1;
	s5 =	smul.u32 $0x19, s5  }
0xc: {  	s7 =	sadd.s32 $0x40A00, s7;
	s10 =	smov.u32 s2;
	[sflag:s4] =	ssyncpa.u1 $0x0  }
0xd: {  	p0 =	por $0x0, $0x0;
	[sflag:s8] =	ssyncpa.u1 $0x0;
	s8 =	sadd.s32 $0x1, s5  }
.LBB1_7:
0xe: {  	s15 =	sadd.s32 $0x1000, s10  }
0xf: {  	s13 =	sadd.s32 $0x2, s11;
	s17 =	smov.u32 s11;
	p2 =	sgt.s32 s15, $0x3FFF  }
0x10: {  	s17 =	smov.u32 @p2 s13  }
0x11: {  	s15 =	smov.u32 @p2 s2;
	p2 =	sgt.s32 s17, $0x31  }
0x12: {  	s17 =	simm.s32 @p2 $0x0;
	p2 =	sne.s32 s12, s8  }
.Ltmp1:
0x13: {  	p1 =	slt.u32 s12, $0x2;
	(pc) =	sbr.rel @!p2 .LBB1_8-.Ltmp1, $4  }
0x14: {  	s16 =	simm.s32 @!p1 $0x2  }
0x15: {  	s14 =	smov.u32 s11;
	p0 =	por !p0, !p0;
	_ =	swait.ge @!p1 [sflag:s16], $0x2000  }
0x16: {  	s13 =	smov.u32 s10;
	[sflag:s16] =	ssyncset.done @!p1 $0x0;
	s10 =	smov.u32 s15  }
0x17: {  	s12 =	sadd.s32 $0x1, s12;
	[sflag:s16] =	ssyncadd.s32 @!p1 $0xFFFFE000;
	s11 =	smov.u32 s17  }
.LBB1_1:
0x18: {  	p1 =	sge.u32 s12, s5  }
0x19: {  	s15 =	sxor.u32 @!p1 $0xFFFFFFFF, s12;
	s16 =	sshll.u32 @!p1 s11, $0x12  }
0x1a: {  	s17 =	sshll.u32 @!p1 s10, $0x4;
	s19 =	simm.s32 @!p1 $0x20;
	s20 =	simm.s32 @!p1 $0x80  }
0x1b: {  	s15 =	sshll.u32 @!p1 s15, $0xD;
	s17 =	sand.u32 @!p1 $0x3FFF0, s17;
	s18 =	sadd.s32 @!p1 s6, s16  }
0x1c: {  	s16 =	sadd.s32 @!p1 s16, s7;
	s15 =	sand.u32 @!p1 $0x2000, s15;
	s18 =	sadd.s32 @!p1 s17, s18  }
0x1d: {  	[tilespmem:s15], [sflag:$0x1] =	stream.strided.gather @!p1 [hbm4b:s18+s19], $0x1000, s20, s19, $0x38;
	[tilespmem:$0x8080] =	vst v63  }
0x1e: {  	s31 =	sadd.s32 $0xFFFFFFFF, s12;
	s16 =	sadd.s32 @!p1 s17, s16;
	s15 =	sor.u32 @!p1 $0x1000, s15  }
0x1f: {  	[tilespmem:s15], [sflag:$0x1] =	stream.strided.gather @!p1 [hbm4b:s16+s19], $0x1000, s20, s19, $0x38;
	[tilespmem:$0x8080] =	vst v63  }
0x20: {  	p1 =	sge.u32 s31, s5  }
.Ltmp2:
0x21: {  	_ = 	snop;
	(pc) =	sbr.rel @p1 .LBB1_7-.Ltmp2, $1  }
0x22: {  	_ =	sdelay $0x3  }
0x23: {  	s15 =	simm.s32 $0x1;
	s17 =	sand.u32 $0x1, s12  }
0x24: {  	_ =	swait.ge [sflag:s4], $0x2000;
	s15 =	simm.s32 @!p0 $0x0;
	s17 =	smul.u32 $0x8100, s17  }
0x25: {  	p2 =	por $0x1, $0x1;
	[sflag:s4] =	ssyncset.done $0x0;
	s16 =	smul.u32 $0x8100, s15  }
0x26: {  	s18 =	sshll.u32 s15, $0xF;
	[sflag:s4] =	ssyncadd.s32 $0xFFFFE000;
	s30 =	sshrl.u32 s17, $0x2  }
0x27: {  	s31 =	sshrl.u32 s18, $0x2;
	s18 =	simm.s32 $0x0;
	s16 =	sshrl.u32 s16, $0x2  }
0x28: {  	s15 =	sor.u32 $0x4000, s30;
	s17 =	sadd.s32 $0x10, s31;
	s16 =	sor.u32 $0x4000, s16  }
.LBB1_3:
0x29: {  	s19 =	sshll.u32 s18, $0xC  }
0x2a: {  	s19 =	sand.u32 $0x3FFFF000, s19  }
0x2b: {  	s20 =	sadd.s32 s19, s17  }
0x2c: {  	s31 =	smul.u32 $0x4080, s18;
	v1 =	vld [tilespmem:s20+$0x0]  }
0x2d: {  	v0 =	vld [tilespmem:s20+$0xFFFFFFF0]  }
0x2e: {  	s18 =	sshra.s32 s31, $0x2  }
0x2f: {  	s18 =	sadd.s32 s18, s16  }
0x30: {  	s21 =	sadd.s32 $0x0, s18  }
0x31: {  	p1 =	por p2, p2;
	s19 =	simm.s32 $0x4;
	s20 =	sadd.s32 $0x20, s20;
	[tilespmem:s21+$0x810 ss:$0x81] =	vst.msk $0xffff, v1  }
.LBB1_4:
0x32: {  	v1 =	vld [tilespmem:s20+$0x0];
	p2 =	sne.s32 s19, $0x1FC;
	[tilespmem:s21+$0x0 ss:$0x81] =	vst.msk $0xffff, v0;
	s21 =	smov.u32 s19;
	s19 =	sadd.s32 $0x4, s19  }
.Ltmp3:
0x33: {  	v0 =	vld [tilespmem:s20+$0xFFFFFFF0];
	(pc) =	sbr.rel @p2 .LBB1_4-.Ltmp3, $4  }
0x34: {  	_ = 	snop  }
0x35: {  	s21 =	sshra.s32 s21, $0x2  }
0x36: {  	s21 =	sadd.s32 s21, s18  }
0x37: {  	s20 =	sadd.s32 $0x20, s20;
	[tilespmem:s21+$0x810 ss:$0x81] =	vst.msk $0xffff, v1  }
.Ltmp4:
0x38: {  	(pc) =	sbr.rel @p1 .LBB1_3-.Ltmp4, $2  }
0x39: {  	_ =	sdelay $0x2  }
0x3a: {  	[tilespmem:s21+$0x0 ss:$0x81] =	vst.msk $0xffff, v0;
	s18 =	simm.s32 $0x1;
	p2 =	por $0x0, $0x0  }
0x3b: {  	s16 =	sshll.u32 s13, $0x3;
	s17 =	sand.u32 $0x78, s13;
	s14 =	sshll.u32 s14, $0x10  }
.Ltmp5:
0x3c: {  	s30 =	sand.u32 $0xF800, s13;
	s16 =	sand.u32 $0x3C00, s16;
	(pc) =	sbr.rel .LBB1_7-.Ltmp5, $4  }
0x3d: {  	s31 =	sand.u32 $0x7, s13;
	s14 =	sadd.s32 s3, s14;
	s16 =	sor.u32 s17, s16  }
0x3e: {  	s13 =	sshll.u32 s31, $0x12;
	s14 =	sadd.s32 s30, s14;
	s16 =	sshrl.u32 s16, $0x3  }
0x3f: {  	s13 =	sor.u32 $0x400, s13;
	s14 =	sadd.s32 s16, s14  }
0x40: {  	[hbm4b:s14+s13] =	stream.strided.scatter [tilespmem:s15], [sflag:$0x2], $0x2000, s9, s13, $0x20;
	[tilespmem:$0x8080] =	vst v63  }
.LBB1_8:
0x41: {  	_ =	sfence.sel $0x180000  }
0x42: {  	s2 =	simm.s32 $0x1;
	[bflag:$0x0] =	sbarrier.arrive $0xFFFF  }
0x43: {  	s31 =	simm.s32 $0x2;
	[sflag:s2] =	ssyncpa.u1 $0x1  }
0x44: {  	[sflag:s31] =	ssyncpa.u1 $0x1  }
0x45: {  	p0 =	sne.s32 s0, $0x0;
	_ =	strace $0x9000004A  }
0x46: {  	s0 =	sadd.s32 @!p0 $0x100000, s1;
	[bflag:$0x2] =	sbarrier.arrive $0xFFFF  }
0x47: {  	[sflag:s0] =	ssyncadd.tile.s32 @!p0 $0x1;
	_ =	shalt  }
.Lfunc_end1:
_tile_overlayer_lowered:
.L_overlay_start_2:
0x48: {  	(tag) =	ssettag $0x2  }
0x49: {  	s0 =	rddreg [dreg:$0x0];
	s2 =	stileid.u32  }
0x4a: {  	s1 =	rddreg [dreg:$0x1];
	p0 =	sne.s32 s2, $0x0  }
0x4b: {  	s3 =	rddreg [dreg:$0x2];
	[bflag:$0x3] =	sbarrier.arrive $0xFFFF;
	s2 =	simm.s32 @!p0 $0x1C01  }
0x4c: {  	[timem:s3], [sflag:s2] =	dma.local @!p0 [hbm:s0], s1  }
0x4d: {  	s0 =	simm.s32 @!p0 $0x1  }
0x4e: {  	_ =	swait.ge @!p0 [sflag:s0], s1  }
0x4f: {  	s1 =	ssub.s32 @!p0 $0x0, s1;
	[sflag:s0] =	ssyncset.done @!p0 $0x0  }
0x50: {  	[sflag:s0] =	ssyncadd.s32 @!p0 s1  }
0x51: {  	[bflag:$0x3] =	sbarrier.arrive $0xFFFF  }
0x52: {  	_ =	shalt  }

</sc_bundles>
